<compile_context>
chip_gen: v7x
topology: tpu7x:2x2x1
jax: 0.10.2.dev20260603
libtpu: 0.0.44.dev20260713+nightly
codegen_flags: <defaults>
</compile_context>

<pallas_src>
import functools

import jax
import jax.numpy as jnp
from jax import lax
from jax.experimental import pallas as pl
from jax.experimental.pallas import tpu as pltpu
from jax.experimental.pallas import tpu_sc as plsc

_BATCH = 16384
_NUM_CORES = 2
_NUM_SUBCORES = 16
_NUM_WORKERS = _NUM_CORES * _NUM_SUBCORES
_CHUNK = _BATCH // _NUM_WORKERS
_HALF = _CHUNK // 2
_LANES = 16
_SCALE = 1.702 * 4.0 * 8.0


def _irt_body(user_id, question_id, theta_t, a_t, b_t, c_t, out,
              idx_u, idx_q, tv, av, bv, cv, ov,
              sem_iu, sem_iq, sem_out,
              s_t0, s_a0, s_b0, s_c0, s_t1, s_a1, s_b1, s_c1):
    wid = lax.axis_index("s") * _NUM_CORES + lax.axis_index("c")
    base = wid * _CHUNK

    cu = pltpu.async_copy(user_id.at[pl.ds(base, _CHUNK)], idx_u, sem_iu)
    cq = pltpu.async_copy(question_id.at[pl.ds(base, _CHUNK)], idx_q, sem_iq)
    cu.wait()
    cq.wait()

    sems = ((s_t0, s_a0, s_b0, s_c0), (s_t1, s_a1, s_b1, s_c1))
    cps = []
    for h in range(2):
        off = h * _HALF
        iu = idx_u.at[pl.ds(off, _HALF)]
        iq = idx_q.at[pl.ds(off, _HALF)]
        st, sa, sb, sc = sems[h]
        cps.append((
            pltpu.async_copy(theta_t.at[iu], tv.at[pl.ds(off, _HALF)], st),
            pltpu.async_copy(a_t.at[iq], av.at[pl.ds(off, _HALF)], sa),
            pltpu.async_copy(b_t.at[iq], bv.at[pl.ds(off, _HALF)], sb),
            pltpu.async_copy(c_t.at[iq], cv.at[pl.ds(off, _HALF)], sc),
        ))

    outs = []
    for h in range(2):
        for cp in cps[h]:
            cp.wait()

        def step(i, _, _h=h):
            off = pl.multiple_of(_h * _HALF + i * _LANES, _LANES)
            et = jnp.exp(-tv[pl.ds(off, _LANES)])
            ea = jnp.exp(-av[pl.ds(off, _LANES)])
            eb = jnp.exp(-bv[pl.ds(off, _LANES)])
            ec = jnp.exp(-cv[pl.ds(off, _LANES)])
            z = _SCALE * (eb - et) / ((1.0 + ea) * (1.0 + et) * (1.0 + eb))
            ez = jnp.exp(-z)
            ov[pl.ds(off, _LANES)] = (1.0 + ez + ec) / ((1.0 + ez) * (1.0 + ec))
            return 0

        lax.fori_loop(0, _HALF // _LANES, step, 0, unroll=1)
        off = h * _HALF
        outs.append(pltpu.async_copy(
            ov.at[pl.ds(off, _HALF)], out.at[pl.ds(base + off, _HALF)], sem_out))

    for cp in outs:
        cp.wait()


@jax.jit
def _irt_sc(user_id, question_id, theta_t, a_t, b_t, c_t):
    mesh = plsc.VectorSubcoreMesh(core_axis_name="c", subcore_axis_name="s")
    f = functools.partial(
        pl.kernel,
        mesh=mesh,
        out_type=jax.ShapeDtypeStruct((_BATCH,), jnp.float32),
        scratch_types=[
            pltpu.VMEM((_CHUNK,), jnp.int32),
            pltpu.VMEM((_CHUNK,), jnp.int32),
            pltpu.VMEM((_CHUNK,), jnp.float32),
            pltpu.VMEM((_CHUNK,), jnp.float32),
            pltpu.VMEM((_CHUNK,), jnp.float32),
            pltpu.VMEM((_CHUNK,), jnp.float32),
            pltpu.VMEM((_CHUNK,), jnp.float32),
        ] + [pltpu.SemaphoreType.DMA] * 11,
    )(_irt_body)
    return f(user_id, question_id, theta_t, a_t, b_t, c_t)


def kernel(user_id, question_id, theta_table, a_table, b_table, c_table):
    return _irt_sc(
        user_id.astype(jnp.int32),
        question_id.astype(jnp.int32),
        theta_table.reshape(-1),
        a_table.reshape(-1),
        b_table.reshape(-1),
        c_table.reshape(-1),
    )

# --- scband reference (transcript-rebuilt; emitter-appended) ---
"""Pipeline reference for scband-irt-59940563583678 (READ-ONLY COPY).

The authoritative reference and input builder live on the scoring server;
editing this copy changes nothing except your own understanding.
"""

import jax, jax.numpy as jnp
import numpy as np

NUM_USERS = 100000
NUM_QUESTIONS = 100000
BATCH = 16384
VALUE_RANGE = 8.0
A_RANGE = 4.0
D = 1.702

def setup_inputs(seed: int = 0) -> dict:
    key = jax.random.key(seed)
    k1, k2, k3, k4, k5, k6 = jax.random.split(key, 6)
    user_id = jax.random.randint(k1, (BATCH,), 0, NUM_USERS, dtype=jnp.int64 if jax.config.jax_enable_x64 else jnp.int32)
    question_id = jax.random.randint(k2, (BATCH,), 0, NUM_QUESTIONS, dtype=jnp.int64 if jax.config.jax_enable_x64 else jnp.int32)
    theta_table = jax.random.normal(k3, (NUM_USERS, 1), dtype=jnp.float32)
    a_table = jax.random.normal(k4, (NUM_QUESTIONS, 1), dtype=jnp.float32)
    b_table = jax.random.normal(k5, (NUM_QUESTIONS, 1), dtype=jnp.float32)
    c_table = jax.random.normal(k6, (NUM_QUESTIONS, 1), dtype=jnp.float32)
    return {"user_id": user_id, "question_id": question_id, "theta_table": theta_table, "a_table": a_table, "b_table": b_table, "c_table": c_table}

def reference(user_id, question_id, theta_table, a_table, b_table, c_table):
    # Embedding lookups (SparseCore gathers)
    theta = jnp.squeeze(jnp.take(theta_table, user_id, axis=0), axis=-1)
    a = jnp.squeeze(jnp.take(a_table, question_id, axis=0), axis=-1)
    b = jnp.squeeze(jnp.take(b_table, question_id, axis=0), axis=-1)
    c = jax.nn.sigmoid(jnp.squeeze(jnp.take(c_table, question_id, axis=0), axis=-1))
    # value_range > 0
    theta = VALUE_RANGE * (jax.nn.sigmoid(theta) - 0.5)
    b = VALUE_RANGE * (jax.nn.sigmoid(b) - 0.5)
    # a_range > 0
    a = A_RANGE * jax.nn.sigmoid(a)
    return c + (1.0 - c) / (1.0 + jnp.exp(-D * a * (theta - b)))

if __name__ == "__main__":
    import jax
    _d = setup_inputs()
    print(jax.jit(kernel)(*tuple(_d.values())))

</pallas_src>

<mosaic_0001>
#map = affine_map<(d0, d1) -> (0)>
module attributes {stable_mosaic.version = 14 : i64} {
  func.func @_irt_body(%arg0: i32, %arg1: i32, %arg2: memref<16384xi32, #tpu.memory_space<hbm>>, %arg3: memref<16384xi32, #tpu.memory_space<hbm>>, %arg4: memref<100000xf32, #tpu.memory_space<hbm>>, %arg5: memref<100000xf32, #tpu.memory_space<hbm>>, %arg6: memref<100000xf32, #tpu.memory_space<hbm>>, %arg7: memref<100000xf32, #tpu.memory_space<hbm>>, %arg8: memref<16384xf32, #tpu.memory_space<hbm>>, %arg9: memref<512xi32, #tpu.memory_space<vmem>>, %arg10: memref<512xi32, #tpu.memory_space<vmem>>, %arg11: memref<512xf32, #tpu.memory_space<vmem>>, %arg12: memref<512xf32, #tpu.memory_space<vmem>>, %arg13: memref<512xf32, #tpu.memory_space<vmem>>, %arg14: memref<512xf32, #tpu.memory_space<vmem>>, %arg15: memref<512xf32, #tpu.memory_space<vmem>>, %arg16: memref<!tpu.dma_semaphore, #tpu.memory_space<semaphore_mem>>, %arg17: memref<!tpu.dma_semaphore, #tpu.memory_space<semaphore_mem>>, %arg18: memref<!tpu.dma_semaphore, #tpu.memory_space<semaphore_mem>>, %arg19: memref<!tpu.dma_semaphore, #tpu.memory_space<semaphore_mem>>, %arg20: memref<!tpu.dma_semaphore, #tpu.memory_space<semaphore_mem>>, %arg21: memref<!tpu.dma_semaphore, #tpu.memory_space<semaphore_mem>>, %arg22: memref<!tpu.dma_semaphore, #tpu.memory_space<semaphore_mem>>, %arg23: memref<!tpu.dma_semaphore, #tpu.memory_space<semaphore_mem>>, %arg24: memref<!tpu.dma_semaphore, #tpu.memory_space<semaphore_mem>>, %arg25: memref<!tpu.dma_semaphore, #tpu.memory_space<semaphore_mem>>, %arg26: memref<!tpu.dma_semaphore, #tpu.memory_space<semaphore_mem>>) attributes {dimension_semantics = [#tpu.dimension_semantics<core_parallel>, #tpu.dimension_semantics<subcore_parallel>], iteration_bounds = array<i64: 2, 16>, scalar_prefetch = 0 : i64, scratch_operands = 18 : i64, tpu.core_type = #tpu.core_type<sc_vector_subcore>, window_params = [{transform_indices = #map}, {transform_indices = #map}, {transform_indices = #map}, {transform_indices = #map}, {transform_indices = #map}, {transform_indices = #map}, {transform_indices = #map}]} {
    %mul3A = arith.constant 2 : i32
    %mul3A_0 = arith.muli %arg1, %mul3A : i32
    %add3A = arith.addi %mul3A_0, %arg0 : i32
    %mul3A_1 = arith.constant 512 : i32
    %mul3A_2 = arith.muli %add3A, %mul3A_1 : i32
    %dma_start3A = tpu.memref_slice %arg2[%mul3A_2] : memref<16384xi32, #tpu.memory_space<hbm>> -> memref<512xi32, #tpu.memory_space<hbm>>
    %dma_start3A_3 = tpu.memref_slice %arg2[%mul3A_2] : memref<16384xi32, #tpu.memory_space<hbm>> -> memref<512xi32, #tpu.memory_space<hbm>>
    tpu.enqueue_dma source(%dma_start3A_3 : memref<512xi32, #tpu.memory_space<hbm>>) target(%arg9 : memref<512xi32, #tpu.memory_space<vmem>>) target_semaphore(%arg16 : memref<!tpu.dma_semaphore, #tpu.memory_space<semaphore_mem>>)
    %dma_start3A_4 = tpu.memref_slice %arg3[%mul3A_2] : memref<16384xi32, #tpu.memory_space<hbm>> -> memref<512xi32, #tpu.memory_space<hbm>>
    %dma_start3A_5 = tpu.memref_slice %arg3[%mul3A_2] : memref<16384xi32, #tpu.memory_space<hbm>> -> memref<512xi32, #tpu.memory_space<hbm>>
    tpu.enqueue_dma source(%dma_start3A_5 : memref<512xi32, #tpu.memory_space<hbm>>) target(%arg10 : memref<512xi32, #tpu.memory_space<vmem>>) target_semaphore(%arg17 : memref<!tpu.dma_semaphore, #tpu.memory_space<semaphore_mem>>)
    %dma_wait3A = tpu.memref_slice %arg2[%mul3A_2] : memref<16384xi32, #tpu.memory_space<hbm>> -> memref<512xi32, #tpu.memory_space<hbm>>
    %dma_wait3A_6 = tpu.memref_slice %arg2[%mul3A_2] : memref<16384xi32, #tpu.memory_space<hbm>> -> memref<512xi32, #tpu.memory_space<hbm>>
    tpu.wait_dma2 semaphore(%arg16 : memref<!tpu.dma_semaphore, #tpu.memory_space<semaphore_mem>>) src(%dma_wait3A_6 : memref<512xi32, #tpu.memory_space<hbm>>) dst(%arg9 : memref<512xi32, #tpu.memory_space<vmem>>)
    %dma_wait3A_7 = tpu.memref_slice %arg3[%mul3A_2] : memref<16384xi32, #tpu.memory_space<hbm>> -> memref<512xi32, #tpu.memory_space<hbm>>
    %dma_wait3A_8 = tpu.memref_slice %arg3[%mul3A_2] : memref<16384xi32, #tpu.memory_space<hbm>> -> memref<512xi32, #tpu.memory_space<hbm>>
    tpu.wait_dma2 semaphore(%arg17 : memref<!tpu.dma_semaphore, #tpu.memory_space<semaphore_mem>>) src(%dma_wait3A_8 : memref<512xi32, #tpu.memory_space<hbm>>) dst(%arg10 : memref<512xi32, #tpu.memory_space<vmem>>)
    %dma_start3A_9 = arith.constant 0 : i32
    %dma_start3A_10 = tpu.memref_slice %arg11[%dma_start3A_9] : memref<512xf32, #tpu.memory_space<vmem>> -> memref<256xf32, #tpu.memory_space<vmem>>
    %dma_start3A_11 = arith.constant 0 : i32
    %dma_start3A_12 = tpu.memref_slice %arg9[%dma_start3A_11] : memref<512xi32, #tpu.memory_space<vmem>> -> memref<256xi32, #tpu.memory_space<vmem>>
    %dma_start3A_13 = arith.constant 0 : i32
    %dma_start3A_14 = tpu.memref_slice %arg4[%dma_start3A_13] : memref<100000xf32, #tpu.memory_space<hbm>> -> memref<100000xf32, #tpu.memory_space<hbm>>
    tpu.enqueue_indirect_dma source(%dma_start3A_14 : memref<100000xf32, #tpu.memory_space<hbm>>) target(%dma_start3A_10 : memref<256xf32, #tpu.memory_space<vmem>>) offsets(%dma_start3A_12 : memref<256xi32, #tpu.memory_space<vmem>>) semaphore(%arg19 : memref<!tpu.dma_semaphore, #tpu.memory_space<semaphore_mem>>)
    %dma_start3A_15 = arith.constant 0 : i32
    %dma_start3A_16 = tpu.memref_slice %arg12[%dma_start3A_15] : memref<512xf32, #tpu.memory_space<vmem>> -> memref<256xf32, #tpu.memory_space<vmem>>
    %dma_start3A_17 = arith.constant 0 : i32
    %dma_start3A_18 = tpu.memref_slice %arg10[%dma_start3A_17] : memref<512xi32, #tpu.memory_space<vmem>> -> memref<256xi32, #tpu.memory_space<vmem>>
    %dma_start3A_19 = arith.constant 0 : i32
    %dma_start3A_20 = tpu.memref_slice %arg5[%dma_start3A_19] : memref<100000xf32, #tpu.memory_space<hbm>> -> memref<100000xf32, #tpu.memory_space<hbm>>
    tpu.enqueue_indirect_dma source(%dma_start3A_20 : memref<100000xf32, #tpu.memory_space<hbm>>) target(%dma_start3A_16 : memref<256xf32, #tpu.memory_space<vmem>>) offsets(%dma_start3A_18 : memref<256xi32, #tpu.memory_space<vmem>>) semaphore(%arg20 : memref<!tpu.dma_semaphore, #tpu.memory_space<semaphore_mem>>)
    %dma_start3A_21 = arith.constant 0 : i32
    %dma_start3A_22 = tpu.memref_slice %arg13[%dma_start3A_21] : memref<512xf32, #tpu.memory_space<vmem>> -> memref<256xf32, #tpu.memory_space<vmem>>
    %dma_start3A_23 = arith.constant 0 : i32
    %dma_start3A_24 = tpu.memref_slice %arg10[%dma_start3A_23] : memref<512xi32, #tpu.memory_space<vmem>> -> memref<256xi32, #tpu.memory_space<vmem>>
    %dma_start3A_25 = arith.constant 0 : i32
    %dma_start3A_26 = tpu.memref_slice %arg6[%dma_start3A_25] : memref<100000xf32, #tpu.memory_space<hbm>> -> memref<100000xf32, #tpu.memory_space<hbm>>
    tpu.enqueue_indirect_dma source(%dma_start3A_26 : memref<100000xf32, #tpu.memory_space<hbm>>) target(%dma_start3A_22 : memref<256xf32, #tpu.memory_space<vmem>>) offsets(%dma_start3A_24 : memref<256xi32, #tpu.memory_space<vmem>>) semaphore(%arg21 : memref<!tpu.dma_semaphore, #tpu.memory_space<semaphore_mem>>)
    %dma_start3A_27 = arith.constant 0 : i32
    %dma_start3A_28 = tpu.memref_slice %arg14[%dma_start3A_27] : memref<512xf32, #tpu.memory_space<vmem>> -> memref<256xf32, #tpu.memory_space<vmem>>
    %dma_start3A_29 = arith.constant 0 : i32
    %dma_start3A_30 = tpu.memref_slice %arg10[%dma_start3A_29] : memref<512xi32, #tpu.memory_space<vmem>> -> memref<256xi32, #tpu.memory_space<vmem>>
    %dma_start3A_31 = arith.constant 0 : i32
    %dma_start3A_32 = tpu.memref_slice %arg7[%dma_start3A_31] : memref<100000xf32, #tpu.memory_space<hbm>> -> memref<100000xf32, #tpu.memory_space<hbm>>
    tpu.enqueue_indirect_dma source(%dma_start3A_32 : memref<100000xf32, #tpu.memory_space<hbm>>) target(%dma_start3A_28 : memref<256xf32, #tpu.memory_space<vmem>>) offsets(%dma_start3A_30 : memref<256xi32, #tpu.memory_space<vmem>>) semaphore(%arg22 : memref<!tpu.dma_semaphore, #tpu.memory_space<semaphore_mem>>)
    %dma_start3A_33 = arith.constant 256 : i32
    %dma_start3A_34 = tpu.memref_slice %arg11[%dma_start3A_33] : memref<512xf32, #tpu.memory_space<vmem>> -> memref<256xf32, #tpu.memory_space<vmem>>
    %dma_start3A_35 = arith.constant 256 : i32
    %dma_start3A_36 = tpu.memref_slice %arg9[%dma_start3A_35] : memref<512xi32, #tpu.memory_space<vmem>> -> memref<256xi32, #tpu.memory_space<vmem>>
    %dma_start3A_37 = arith.constant 0 : i32
    %dma_start3A_38 = tpu.memref_slice %arg4[%dma_start3A_37] : memref<100000xf32, #tpu.memory_space<hbm>> -> memref<100000xf32, #tpu.memory_space<hbm>>
    tpu.enqueue_indirect_dma source(%dma_start3A_38 : memref<100000xf32, #tpu.memory_space<hbm>>) target(%dma_start3A_34 : memref<256xf32, #tpu.memory_space<vmem>>) offsets(%dma_start3A_36 : memref<256xi32, #tpu.memory_space<vmem>>) semaphore(%arg23 : memref<!tpu.dma_semaphore, #tpu.memory_space<semaphore_mem>>)
    %dma_start3A_39 = arith.constant 256 : i32
    %dma_start3A_40 = tpu.memref_slice %arg12[%dma_start3A_39] : memref<512xf32, #tpu.memory_space<vmem>> -> memref<256xf32, #tpu.memory_space<vmem>>
    %dma_start3A_41 = arith.constant 256 : i32
    %dma_start3A_42 = tpu.memref_slice %arg10[%dma_start3A_41] : memref<512xi32, #tpu.memory_space<vmem>> -> memref<256xi32, #tpu.memory_space<vmem>>
    %dma_start3A_43 = arith.constant 0 : i32
    %dma_start3A_44 = tpu.memref_slice %arg5[%dma_start3A_43] : memref<100000xf32, #tpu.memory_space<hbm>> -> memref<100000xf32, #tpu.memory_space<hbm>>
    tpu.enqueue_indirect_dma source(%dma_start3A_44 : memref<100000xf32, #tpu.memory_space<hbm>>) target(%dma_start3A_40 : memref<256xf32, #tpu.memory_space<vmem>>) offsets(%dma_start3A_42 : memref<256xi32, #tpu.memory_space<vmem>>) semaphore(%arg24 : memref<!tpu.dma_semaphore, #tpu.memory_space<semaphore_mem>>)
    %dma_start3A_45 = arith.constant 256 : i32
    %dma_start3A_46 = tpu.memref_slice %arg13[%dma_start3A_45] : memref<512xf32, #tpu.memory_space<vmem>> -> memref<256xf32, #tpu.memory_space<vmem>>
    %dma_start3A_47 = arith.constant 256 : i32
    %dma_start3A_48 = tpu.memref_slice %arg10[%dma_start3A_47] : memref<512xi32, #tpu.memory_space<vmem>> -> memref<256xi32, #tpu.memory_space<vmem>>
    %dma_start3A_49 = arith.constant 0 : i32
    %dma_start3A_50 = tpu.memref_slice %arg6[%dma_start3A_49] : memref<100000xf32, #tpu.memory_space<hbm>> -> memref<100000xf32, #tpu.memory_space<hbm>>
    tpu.enqueue_indirect_dma source(%dma_start3A_50 : memref<100000xf32, #tpu.memory_space<hbm>>) target(%dma_start3A_46 : memref<256xf32, #tpu.memory_space<vmem>>) offsets(%dma_start3A_48 : memref<256xi32, #tpu.memory_space<vmem>>) semaphore(%arg25 : memref<!tpu.dma_semaphore, #tpu.memory_space<semaphore_mem>>)
    %dma_start3A_51 = arith.constant 256 : i32
    %dma_start3A_52 = tpu.memref_slice %arg14[%dma_start3A_51] : memref<512xf32, #tpu.memory_space<vmem>> -> memref<256xf32, #tpu.memory_space<vmem>>
    %dma_start3A_53 = arith.constant 256 : i32
    %dma_start3A_54 = tpu.memref_slice %arg10[%dma_start3A_53] : memref<512xi32, #tpu.memory_space<vmem>> -> memref<256xi32, #tpu.memory_space<vmem>>
    %dma_start3A_55 = arith.constant 0 : i32
    %dma_start3A_56 = tpu.memref_slice %arg7[%dma_start3A_55] : memref<100000xf32, #tpu.memory_space<hbm>> -> memref<100000xf32, #tpu.memory_space<hbm>>
    tpu.enqueue_indirect_dma source(%dma_start3A_56 : memref<100000xf32, #tpu.memory_space<hbm>>) target(%dma_start3A_52 : memref<256xf32, #tpu.memory_space<vmem>>) offsets(%dma_start3A_54 : memref<256xi32, #tpu.memory_space<vmem>>) semaphore(%arg26 : memref<!tpu.dma_semaphore, #tpu.memory_space<semaphore_mem>>)
    %dma_wait3A_57 = arith.constant 0 : i32
    %dma_wait3A_58 = tpu.memref_slice %arg11[%dma_wait3A_57] : memref<512xf32, #tpu.memory_space<vmem>> -> memref<256xf32, #tpu.memory_space<vmem>>
    %dma_wait3A_59 = arith.constant 0 : i32
    %dma_wait3A_60 = tpu.memref_slice %arg9[%dma_wait3A_59] : memref<512xi32, #tpu.memory_space<vmem>> -> memref<256xi32, #tpu.memory_space<vmem>>
    %dma_wait3A_61 = arith.constant 0 : i32
    %dma_wait3A_62 = tpu.memref_slice %arg4[%dma_wait3A_61] : memref<100000xf32, #tpu.memory_space<hbm>> -> memref<100000xf32, #tpu.memory_space<hbm>>
    tpu.wait_indirect_dma semaphore(%arg19 : memref<!tpu.dma_semaphore, #tpu.memory_space<semaphore_mem>>) src(%dma_wait3A_62 : memref<100000xf32, #tpu.memory_space<hbm>>) dst(%dma_wait3A_58 : memref<256xf32, #tpu.memory_space<vmem>>)
    %dma_wait3A_63 = arith.constant 0 : i32
    %dma_wait3A_64 = tpu.memref_slice %arg12[%dma_wait3A_63] : memref<512xf32, #tpu.memory_space<vmem>> -> memref<256xf32, #tpu.memory_space<vmem>>
    %dma_wait3A_65 = arith.constant 0 : i32
    %dma_wait3A_66 = tpu.memref_slice %arg10[%dma_wait3A_65] : memref<512xi32, #tpu.memory_space<vmem>> -> memref<256xi32, #tpu.memory_space<vmem>>
    %dma_wait3A_67 = arith.constant 0 : i32
    %dma_wait3A_68 = tpu.memref_slice %arg5[%dma_wait3A_67] : memref<100000xf32, #tpu.memory_space<hbm>> -> memref<100000xf32, #tpu.memory_space<hbm>>
    tpu.wait_indirect_dma semaphore(%arg20 : memref<!tpu.dma_semaphore, #tpu.memory_space<semaphore_mem>>) src(%dma_wait3A_68 : memref<100000xf32, #tpu.memory_space<hbm>>) dst(%dma_wait3A_64 : memref<256xf32, #tpu.memory_space<vmem>>)
    %dma_wait3A_69 = arith.constant 0 : i32
    %dma_wait3A_70 = tpu.memref_slice %arg13[%dma_wait3A_69] : memref<512xf32, #tpu.memory_space<vmem>> -> memref<256xf32, #tpu.memory_space<vmem>>
    %dma_wait3A_71 = arith.constant 0 : i32
    %dma_wait3A_72 = tpu.memref_slice %arg10[%dma_wait3A_71] : memref<512xi32, #tpu.memory_space<vmem>> -> memref<256xi32, #tpu.memory_space<vmem>>
    %dma_wait3A_73 = arith.constant 0 : i32
    %dma_wait3A_74 = tpu.memref_slice %arg6[%dma_wait3A_73] : memref<100000xf32, #tpu.memory_space<hbm>> -> memref<100000xf32, #tpu.memory_space<hbm>>
    tpu.wait_indirect_dma semaphore(%arg21 : memref<!tpu.dma_semaphore, #tpu.memory_space<semaphore_mem>>) src(%dma_wait3A_74 : memref<100000xf32, #tpu.memory_space<hbm>>) dst(%dma_wait3A_70 : memref<256xf32, #tpu.memory_space<vmem>>)
    %dma_wait3A_75 = arith.constant 0 : i32
    %dma_wait3A_76 = tpu.memref_slice %arg14[%dma_wait3A_75] : memref<512xf32, #tpu.memory_space<vmem>> -> memref<256xf32, #tpu.memory_space<vmem>>
    %dma_wait3A_77 = arith.constant 0 : i32
    %dma_wait3A_78 = tpu.memref_slice %arg10[%dma_wait3A_77] : memref<512xi32, #tpu.memory_space<vmem>> -> memref<256xi32, #tpu.memory_space<vmem>>
    %dma_wait3A_79 = arith.constant 0 : i32
    %dma_wait3A_80 = tpu.memref_slice %arg7[%dma_wait3A_79] : memref<100000xf32, #tpu.memory_space<hbm>> -> memref<100000xf32, #tpu.memory_space<hbm>>
    tpu.wait_indirect_dma semaphore(%arg22 : memref<!tpu.dma_semaphore, #tpu.memory_space<semaphore_mem>>) src(%dma_wait3A_80 : memref<100000xf32, #tpu.memory_space<hbm>>) dst(%dma_wait3A_76 : memref<256xf32, #tpu.memory_space<vmem>>)
    %scan3A = arith.constant 0 : i32
    %scan3A_81 = arith.constant 0 : i32
    %scan3A_82 = arith.constant 16 : i32
    %scan3A_83 = arith.addi %scan3A_81, %scan3A_82 : i32
    %scan3A_84 = arith.constant 1 : i32
    %scan3A_85 = scf.for %scan3A_146 = %scan3A_81 to %scan3A_83 step %scan3A_84 iter_args(%scan3A_147 = %scan3A) -> (i32)  : i32 {
      %mul3A_148 = arith.constant 16 : i32
      %mul3A_149 = arith.muli %scan3A_146, %mul3A_148 : i32
      %add3A_150 = arith.constant 0 : i32
      %add3A_151 = arith.addi %add3A_150, %mul3A_149 : i32
      %multiple_of3A = tpu.assume_multiple %add3A_151, 16 : i32
      %get3A = arith.index_cast %multiple_of3A : i32 to index
      %get3A_152 = tpu.vector_load %arg11[%get3A] {strides = array<i32>} : memref<512xf32, #tpu.memory_space<vmem>>, vector<16xf32>,
      %get3A_153 = vector.shape_cast %get3A_152 : vector<16xf32> to vector<16xf32>
      %neg3A = arith.constant 0.000000e+00 : f32
      %neg3A_154 = vector.broadcast %neg3A : f32 to vector<16xf32>
      %neg3A_155 = arith.subf %neg3A_154, %get3A_153 : vector<16xf32>
      %exp3A = math.exp %neg3A_155 : vector<16xf32>
      %get3A_156 = arith.index_cast %multiple_of3A : i32 to index
      %get3A_157 = tpu.vector_load %arg12[%get3A_156] {strides = array<i32>} : memref<512xf32, #tpu.memory_space<vmem>>, vector<16xf32>,
      %get3A_158 = vector.shape_cast %get3A_157 : vector<16xf32> to vector<16xf32>
      %neg3A_159 = arith.constant 0.000000e+00 : f32
      %neg3A_160 = vector.broadcast %neg3A_159 : f32 to vector<16xf32>
      %neg3A_161 = arith.subf %neg3A_160, %get3A_158 : vector<16xf32>
      %exp3A_162 = math.exp %neg3A_161 : vector<16xf32>
      %get3A_163 = arith.index_cast %multiple_of3A : i32 to index
      %get3A_164 = tpu.vector_load %arg13[%get3A_163] {strides = array<i32>} : memref<512xf32, #tpu.memory_space<vmem>>, vector<16xf32>,
      %get3A_165 = vector.shape_cast %get3A_164 : vector<16xf32> to vector<16xf32>
      %neg3A_166 = arith.constant 0.000000e+00 : f32
      %neg3A_167 = vector.broadcast %neg3A_166 : f32 to vector<16xf32>
      %neg3A_168 = arith.subf %neg3A_167, %get3A_165 : vector<16xf32>
      %exp3A_169 = math.exp %neg3A_168 : vector<16xf32>
      %get3A_170 = arith.index_cast %multiple_of3A : i32 to index
      %get3A_171 = tpu.vector_load %arg14[%get3A_170] {strides = array<i32>} : memref<512xf32, #tpu.memory_space<vmem>>, vector<16xf32>,
      %get3A_172 = vector.shape_cast %get3A_171 : vector<16xf32> to vector<16xf32>
      %neg3A_173 = arith.constant 0.000000e+00 : f32
      %neg3A_174 = vector.broadcast %neg3A_173 : f32 to vector<16xf32>
      %neg3A_175 = arith.subf %neg3A_174, %get3A_172 : vector<16xf32>
      %exp3A_176 = math.exp %neg3A_175 : vector<16xf32>
      %sub3A = arith.subf %exp3A_169, %exp3A : vector<16xf32>
      %mul3A_177 = arith.constant 5.446400e+01 : f32
      %mul3A_178 = vector.broadcast %mul3A_177 : f32 to vector<16xf32>
      %mul3A_179 = arith.mulf %mul3A_178, %sub3A : vector<16xf32>
      %add3A_180 = arith.constant 1.000000e+00 : f32
      %add3A_181 = vector.broadcast %add3A_180 : f32 to vector<16xf32>
      %add3A_182 = arith.addf %add3A_181, %exp3A_162 : vector<16xf32>
      %add3A_183 = arith.constant 1.000000e+00 : f32
      %add3A_184 = vector.broadcast %add3A_183 : f32 to vector<16xf32>
      %add3A_185 = arith.addf %add3A_184, %exp3A : vector<16xf32>
      %mul3A_186 = arith.mulf %add3A_182, %add3A_185 : vector<16xf32>
      %add3A_187 = arith.constant 1.000000e+00 : f32
      %add3A_188 = vector.broadcast %add3A_187 : f32 to vector<16xf32>
      %add3A_189 = arith.addf %add3A_188, %exp3A_169 : vector<16xf32>
      %mul3A_190 = arith.mulf %mul3A_186, %add3A_189 : vector<16xf32>
      %div3A = arith.divf %mul3A_179, %mul3A_190 : vector<16xf32>
      %neg3A_191 = arith.constant 0.000000e+00 : f32
      %neg3A_192 = vector.broadcast %neg3A_191 : f32 to vector<16xf32>
      %neg3A_193 = arith.subf %neg3A_192, %div3A : vector<16xf32>
      %exp3A_194 = math.exp %neg3A_193 : vector<16xf32>
      %add3A_195 = arith.constant 1.000000e+00 : f32
      %add3A_196 = vector.broadcast %add3A_195 : f32 to vector<16xf32>
      %add3A_197 = arith.addf %add3A_196, %exp3A_194 : vector<16xf32>
      %add3A_198 = arith.addf %add3A_197, %exp3A_176 : vector<16xf32>
      %add3A_199 = arith.constant 1.000000e+00 : f32
      %add3A_200 = vector.broadcast %add3A_199 : f32 to vector<16xf32>
      %add3A_201 = arith.addf %add3A_200, %exp3A_194 : vector<16xf32>
      %add3A_202 = arith.constant 1.000000e+00 : f32
      %add3A_203 = vector.broadcast %add3A_202 : f32 to vector<16xf32>
      %add3A_204 = arith.addf %add3A_203, %exp3A_176 : vector<16xf32>
      %mul3A_205 = arith.mulf %add3A_201, %add3A_204 : vector<16xf32>
      %div3A_206 = arith.divf %add3A_198, %mul3A_205 : vector<16xf32>
      %swap3A = arith.index_cast %multiple_of3A : i32 to index
      %swap3A_207 = tpu.vector_load %arg15[%swap3A] {strides = array<i32>} : memref<512xf32, #tpu.memory_space<vmem>>, vector<16xf32>,
      %swap3A_208 = vector.shape_cast %swap3A_207 : vector<16xf32> to vector<16xf32>
      %swap3A_209 = vector.shape_cast %div3A_206 : vector<16xf32> to vector<16xf32>
      tpu.vector_store %arg15[%swap3A], %swap3A_209 {strides = array<i32>} : memref<512xf32, #tpu.memory_space<vmem>>, vector<16xf32>,
      %scan3A_210 = arith.constant 0 : i32
      scf.yield %scan3A_210 : i32
    }
    %scan3A_86 = arith.constant 16 : i32
    %add3A_87 = arith.constant 0 : i32
    %add3A_88 = arith.addi %mul3A_2, %add3A_87 : i32
    %dma_start3A_89 = arith.constant 0 : i32
    %dma_start3A_90 = tpu.memref_slice %arg15[%dma_start3A_89] : memref<512xf32, #tpu.memory_space<vmem>> -> memref<256xf32, #tpu.memory_space<vmem>>
    %dma_start3A_91 = tpu.memref_slice %arg8[%add3A_88] : memref<16384xf32, #tpu.memory_space<hbm>> -> memref<256xf32, #tpu.memory_space<hbm>>
    %dma_start3A_92 = tpu.memref_slice %arg8[%add3A_88] : memref<16384xf32, #tpu.memory_space<hbm>> -> memref<256xf32, #tpu.memory_space<hbm>>
    %dma_start3A_93 = arith.constant 0 : i32
    %dma_start3A_94 = tpu.memref_slice %arg15[%dma_start3A_93] : memref<512xf32, #tpu.memory_space<vmem>> -> memref<256xf32, #tpu.memory_space<vmem>>
    tpu.enqueue_dma source(%dma_start3A_94 : memref<256xf32, #tpu.memory_space<vmem>>) target(%dma_start3A_92 : memref<256xf32, #tpu.memory_space<hbm>>) target_semaphore(%arg18 : memref<!tpu.dma_semaphore, #tpu.memory_space<semaphore_mem>>)
    %dma_wait3A_95 = arith.constant 256 : i32
    %dma_wait3A_96 = tpu.memref_slice %arg11[%dma_wait3A_95] : memref<512xf32, #tpu.memory_space<vmem>> -> memref<256xf32, #tpu.memory_space<vmem>>
    %dma_wait3A_97 = arith.constant 256 : i32
    %dma_wait3A_98 = tpu.memref_slice %arg9[%dma_wait3A_97] : memref<512xi32, #tpu.memory_space<vmem>> -> memref<256xi32, #tpu.memory_space<vmem>>
    %dma_wait3A_99 = arith.constant 0 : i32
    %dma_wait3A_100 = tpu.memref_slice %arg4[%dma_wait3A_99] : memref<100000xf32, #tpu.memory_space<hbm>> -> memref<100000xf32, #tpu.memory_space<hbm>>
    tpu.wait_indirect_dma semaphore(%arg23 : memref<!tpu.dma_semaphore, #tpu.memory_space<semaphore_mem>>) src(%dma_wait3A_100 : memref<100000xf32, #tpu.memory_space<hbm>>) dst(%dma_wait3A_96 : memref<256xf32, #tpu.memory_space<vmem>>)
    %dma_wait3A_101 = arith.constant 256 : i32
    %dma_wait3A_102 = tpu.memref_slice %arg12[%dma_wait3A_101] : memref<512xf32, #tpu.memory_space<vmem>> -> memref<256xf32, #tpu.memory_space<vmem>>
    %dma_wait3A_103 = arith.constant 256 : i32
    %dma_wait3A_104 = tpu.memref_slice %arg10[%dma_wait3A_103] : memref<512xi32, #tpu.memory_space<vmem>> -> memref<256xi32, #tpu.memory_space<vmem>>
    %dma_wait3A_105 = arith.constant 0 : i32
    %dma_wait3A_106 = tpu.memref_slice %arg5[%dma_wait3A_105] : memref<100000xf32, #tpu.memory_space<hbm>> -> memref<100000xf32, #tpu.memory_space<hbm>>
    tpu.wait_indirect_dma semaphore(%arg24 : memref<!tpu.dma_semaphore, #tpu.memory_space<semaphore_mem>>) src(%dma_wait3A_106 : memref<100000xf32, #tpu.memory_space<hbm>>) dst(%dma_wait3A_102 : memref<256xf32, #tpu.memory_space<vmem>>)
    %dma_wait3A_107 = arith.constant 256 : i32
    %dma_wait3A_108 = tpu.memref_slice %arg13[%dma_wait3A_107] : memref<512xf32, #tpu.memory_space<vmem>> -> memref<256xf32, #tpu.memory_space<vmem>>
    %dma_wait3A_109 = arith.constant 256 : i32
    %dma_wait3A_110 = tpu.memref_slice %arg10[%dma_wait3A_109] : memref<512xi32, #tpu.memory_space<vmem>> -> memref<256xi32, #tpu.memory_space<vmem>>
    %dma_wait3A_111 = arith.constant 0 : i32
    %dma_wait3A_112 = tpu.memref_slice %arg6[%dma_wait3A_111] : memref<100000xf32, #tpu.memory_space<hbm>> -> memref<100000xf32, #tpu.memory_space<hbm>>
    tpu.wait_indirect_dma semaphore(%arg25 : memref<!tpu.dma_semaphore, #tpu.memory_space<semaphore_mem>>) src(%dma_wait3A_112 : memref<100000xf32, #tpu.memory_space<hbm>>) dst(%dma_wait3A_108 : memref<256xf32, #tpu.memory_space<vmem>>)
    %dma_wait3A_113 = arith.constant 256 : i32
    %dma_wait3A_114 = tpu.memref_slice %arg14[%dma_wait3A_113] : memref<512xf32, #tpu.memory_space<vmem>> -> memref<256xf32, #tpu.memory_space<vmem>>
    %dma_wait3A_115 = arith.constant 256 : i32
    %dma_wait3A_116 = tpu.memref_slice %arg10[%dma_wait3A_115] : memref<512xi32, #tpu.memory_space<vmem>> -> memref<256xi32, #tpu.memory_space<vmem>>
    %dma_wait3A_117 = arith.constant 0 : i32
    %dma_wait3A_118 = tpu.memref_slice %arg7[%dma_wait3A_117] : memref<100000xf32, #tpu.memory_space<hbm>> -> memref<100000xf32, #tpu.memory_space<hbm>>
    tpu.wait_indirect_dma semaphore(%arg26 : memref<!tpu.dma_semaphore, #tpu.memory_space<semaphore_mem>>) src(%dma_wait3A_118 : memref<100000xf32, #tpu.memory_space<hbm>>) dst(%dma_wait3A_114 : memref<256xf32, #tpu.memory_space<vmem>>)
    %scan3A_119 = arith.constant 0 : i32
    %scan3A_120 = arith.constant 0 : i32
    %scan3A_121 = arith.constant 16 : i32
    %scan3A_122 = arith.addi %scan3A_120, %scan3A_121 : i32
    %scan3A_123 = arith.constant 1 : i32
    %scan3A_124 = scf.for %scan3A_146 = %scan3A_120 to %scan3A_122 step %scan3A_123 iter_args(%scan3A_147 = %scan3A_119) -> (i32)  : i32 {
      %mul3A_148 = arith.constant 16 : i32
      %mul3A_149 = arith.muli %scan3A_146, %mul3A_148 : i32
      %add3A_150 = arith.constant 256 : i32
      %add3A_151 = arith.addi %add3A_150, %mul3A_149 : i32
      %multiple_of3A = tpu.assume_multiple %add3A_151, 16 : i32
      %get3A = arith.index_cast %multiple_of3A : i32 to index
      %get3A_152 = tpu.vector_load %arg11[%get3A] {strides = array<i32>} : memref<512xf32, #tpu.memory_space<vmem>>, vector<16xf32>,
      %get3A_153 = vector.shape_cast %get3A_152 : vector<16xf32> to vector<16xf32>
      %neg3A = arith.constant 0.000000e+00 : f32
      %neg3A_154 = vector.broadcast %neg3A : f32 to vector<16xf32>
      %neg3A_155 = arith.subf %neg3A_154, %get3A_153 : vector<16xf32>
      %exp3A = math.exp %neg3A_155 : vector<16xf32>
      %get3A_156 = arith.index_cast %multiple_of3A : i32 to index
      %get3A_157 = tpu.vector_load %arg12[%get3A_156] {strides = array<i32>} : memref<512xf32, #tpu.memory_space<vmem>>, vector<16xf32>,
      %get3A_158 = vector.shape_cast %get3A_157 : vector<16xf32> to vector<16xf32>
      %neg3A_159 = arith.constant 0.000000e+00 : f32
      %neg3A_160 = vector.broadcast %neg3A_159 : f32 to vector<16xf32>
      %neg3A_161 = arith.subf %neg3A_160, %get3A_158 : vector<16xf32>
      %exp3A_162 = math.exp %neg3A_161 : vector<16xf32>
      %get3A_163 = arith.index_cast %multiple_of3A : i32 to index
      %get3A_164 = tpu.vector_load %arg13[%get3A_163] {strides = array<i32>} : memref<512xf32, #tpu.memory_space<vmem>>, vector<16xf32>,
      %get3A_165 = vector.shape_cast %get3A_164 : vector<16xf32> to vector<16xf32>
      %neg3A_166 = arith.constant 0.000000e+00 : f32
      %neg3A_167 = vector.broadcast %neg3A_166 : f32 to vector<16xf32>
      %neg3A_168 = arith.subf %neg3A_167, %get3A_165 : vector<16xf32>
      %exp3A_169 = math.exp %neg3A_168 : vector<16xf32>
      %get3A_170 = arith.index_cast %multiple_of3A : i32 to index
      %get3A_171 = tpu.vector_load %arg14[%get3A_170] {strides = array<i32>} : memref<512xf32, #tpu.memory_space<vmem>>, vector<16xf32>,
      %get3A_172 = vector.shape_cast %get3A_171 : vector<16xf32> to vector<16xf32>
      %neg3A_173 = arith.constant 0.000000e+00 : f32
      %neg3A_174 = vector.broadcast %neg3A_173 : f32 to vector<16xf32>
      %neg3A_175 = arith.subf %neg3A_174, %get3A_172 : vector<16xf32>
      %exp3A_176 = math.exp %neg3A_175 : vector<16xf32>
      %sub3A = arith.subf %exp3A_169, %exp3A : vector<16xf32>
      %mul3A_177 = arith.constant 5.446400e+01 : f32
      %mul3A_178 = vector.broadcast %mul3A_177 : f32 to vector<16xf32>
      %mul3A_179 = arith.mulf %mul3A_178, %sub3A : vector<16xf32>
      %add3A_180 = arith.constant 1.000000e+00 : f32
      %add3A_181 = vector.broadcast %add3A_180 : f32 to vector<16xf32>
      %add3A_182 = arith.addf %add3A_181, %exp3A_162 : vector<16xf32>
      %add3A_183 = arith.constant 1.000000e+00 : f32
      %add3A_184 = vector.broadcast %add3A_183 : f32 to vector<16xf32>
      %add3A_185 = arith.addf %add3A_184, %exp3A : vector<16xf32>
      %mul3A_186 = arith.mulf %add3A_182, %add3A_185 : vector<16xf32>
      %add3A_187 = arith.constant 1.000000e+00 : f32
      %add3A_188 = vector.broadcast %add3A_187 : f32 to vector<16xf32>
      %add3A_189 = arith.addf %add3A_188, %exp3A_169 : vector<16xf32>
      %mul3A_190 = arith.mulf %mul3A_186, %add3A_189 : vector<16xf32>
      %div3A = arith.divf %mul3A_179, %mul3A_190 : vector<16xf32>
      %neg3A_191 = arith.constant 0.000000e+00 : f32
      %neg3A_192 = vector.broadcast %neg3A_191 : f32 to vector<16xf32>
      %neg3A_193 = arith.subf %neg3A_192, %div3A : vector<16xf32>
      %exp3A_194 = math.exp %neg3A_193 : vector<16xf32>
      %add3A_195 = arith.constant 1.000000e+00 : f32
      %add3A_196 = vector.broadcast %add3A_195 : f32 to vector<16xf32>
      %add3A_197 = arith.addf %add3A_196, %exp3A_194 : vector<16xf32>
      %add3A_198 = arith.addf %add3A_197, %exp3A_176 : vector<16xf32>
      %add3A_199 = arith.constant 1.000000e+00 : f32
      %add3A_200 = vector.broadcast %add3A_199 : f32 to vector<16xf32>
      %add3A_201 = arith.addf %add3A_200, %exp3A_194 : vector<16xf32>
      %add3A_202 = arith.constant 1.000000e+00 : f32
      %add3A_203 = vector.broadcast %add3A_202 : f32 to vector<16xf32>
      %add3A_204 = arith.addf %add3A_203, %exp3A_176 : vector<16xf32>
      %mul3A_205 = arith.mulf %add3A_201, %add3A_204 : vector<16xf32>
      %div3A_206 = arith.divf %add3A_198, %mul3A_205 : vector<16xf32>
      %swap3A = arith.index_cast %multiple_of3A : i32 to index
      %swap3A_207 = tpu.vector_load %arg15[%swap3A] {strides = array<i32>} : memref<512xf32, #tpu.memory_space<vmem>>, vector<16xf32>,
      %swap3A_208 = vector.shape_cast %swap3A_207 : vector<16xf32> to vector<16xf32>
      %swap3A_209 = vector.shape_cast %div3A_206 : vector<16xf32> to vector<16xf32>
      tpu.vector_store %arg15[%swap3A], %swap3A_209 {strides = array<i32>} : memref<512xf32, #tpu.memory_space<vmem>>, vector<16xf32>,
      %scan3A_210 = arith.constant 0 : i32
      scf.yield %scan3A_210 : i32
    }
    %scan3A_125 = arith.constant 16 : i32
    %add3A_126 = arith.constant 256 : i32
    %add3A_127 = arith.addi %mul3A_2, %add3A_126 : i32
    %dma_start3A_128 = arith.constant 256 : i32
    %dma_start3A_129 = tpu.memref_slice %arg15[%dma_start3A_128] : memref<512xf32, #tpu.memory_space<vmem>> -> memref<256xf32, #tpu.memory_space<vmem>>
    %dma_start3A_130 = tpu.memref_slice %arg8[%add3A_127] : memref<16384xf32, #tpu.memory_space<hbm>> -> memref<256xf32, #tpu.memory_space<hbm>>
    %dma_start3A_131 = tpu.memref_slice %arg8[%add3A_127] : memref<16384xf32, #tpu.memory_space<hbm>> -> memref<256xf32, #tpu.memory_space<hbm>>
    %dma_start3A_132 = arith.constant 256 : i32
    %dma_start3A_133 = tpu.memref_slice %arg15[%dma_start3A_132] : memref<512xf32, #tpu.memory_space<vmem>> -> memref<256xf32, #tpu.memory_space<vmem>>
    tpu.enqueue_dma source(%dma_start3A_133 : memref<256xf32, #tpu.memory_space<vmem>>) target(%dma_start3A_131 : memref<256xf32, #tpu.memory_space<hbm>>) target_semaphore(%arg18 : memref<!tpu.dma_semaphore, #tpu.memory_space<semaphore_mem>>)
    %dma_wait3A_134 = arith.constant 0 : i32
    %dma_wait3A_135 = tpu.memref_slice %arg15[%dma_wait3A_134] : memref<512xf32, #tpu.memory_space<vmem>> -> memref<256xf32, #tpu.memory_space<vmem>>
    %dma_wait3A_136 = tpu.memref_slice %arg8[%add3A_88] : memref<16384xf32, #tpu.memory_space<hbm>> -> memref<256xf32, #tpu.memory_space<hbm>>
    %dma_wait3A_137 = tpu.memref_slice %arg8[%add3A_88] : memref<16384xf32, #tpu.memory_space<hbm>> -> memref<256xf32, #tpu.memory_space<hbm>>
    %dma_wait3A_138 = arith.constant 0 : i32
    %dma_wait3A_139 = tpu.memref_slice %arg15[%dma_wait3A_138] : memref<512xf32, #tpu.memory_space<vmem>> -> memref<256xf32, #tpu.memory_space<vmem>>
    tpu.wait_dma2 semaphore(%arg18 : memref<!tpu.dma_semaphore, #tpu.memory_space<semaphore_mem>>) src(%dma_wait3A_139 : memref<256xf32, #tpu.memory_space<vmem>>) dst(%dma_wait3A_137 : memref<256xf32, #tpu.memory_space<hbm>>)
    %dma_wait3A_140 = arith.constant 256 : i32
    %dma_wait3A_141 = tpu.memref_slice %arg15[%dma_wait3A_140] : memref<512xf32, #tpu.memory_space<vmem>> -> memref<256xf32, #tpu.memory_space<vmem>>
    %dma_wait3A_142 = tpu.memref_slice %arg8[%add3A_127] : memref<16384xf32, #tpu.memory_space<hbm>> -> memref<256xf32, #tpu.memory_space<hbm>>
    %dma_wait3A_143 = tpu.memref_slice %arg8[%add3A_127] : memref<16384xf32, #tpu.memory_space<hbm>> -> memref<256xf32, #tpu.memory_space<hbm>>
    %dma_wait3A_144 = arith.constant 256 : i32
    %dma_wait3A_145 = tpu.memref_slice %arg15[%dma_wait3A_144] : memref<512xf32, #tpu.memory_space<vmem>> -> memref<256xf32, #tpu.memory_space<vmem>>
    tpu.wait_dma2 semaphore(%arg18 : memref<!tpu.dma_semaphore, #tpu.memory_space<semaphore_mem>>) src(%dma_wait3A_145 : memref<256xf32, #tpu.memory_space<vmem>>) dst(%dma_wait3A_143 : memref<256xf32, #tpu.memory_space<hbm>>)
    return
  }
}

</mosaic_0001>

<sc_bundles>
// kernel: _irt_sc.3.cloned.1.call-start
scs
__scs_entry_jumppad:
0x0: {  	(pc) =	sbr.rel $0x88, $3  }
0x1: {  	(tag) =	ssettag $0x0;
	lr =	simm.s32 $0x1  }
0x2: {  	[smem:$0x3F9B] =	sst lr;
	_ =	strace $0xD0000000  }
0x3: {  	_ = 	snop  }
0x4: {  	_ = 	snop  }
0x5: {  	_ = 	snop  }
0x6: {  	_ = 	snop  }
0x7: {  	_ = 	snop  }
__scs_overlays_trampoline_lowered:
0x8: {  	[smem:$0x3FAA] =	sst s0  }
0x9: {  	[smem:$0x3FAB] =	sst s1  }
0xa: {  	[smem:$0x3FAC] =	sst s2  }
0xb: {  	[smem:$0x3FAD] =	sst s3  }
0xc: {  	[smem:$0x3FAE] =	sst s4  }
0xd: {  	[smem:$0x3FAF] =	sst s5  }
0xe: {  	[smem:$0x3FB0] =	sst s6  }
0xf: {  	[smem:$0x3FB1] =	sst s7  }
0x10: {  	[smem:$0x3FB2] =	sst s8  }
0x11: {  	[smem:$0x3FB3] =	sst s9;
	s0 =	simm.s32 @!p0 $0x0  }
0x12: {  	s1 =	sld [smem:$0x3F99];
	s0 =	simm.s32 @p0 $0x1  }
0x13: {  	[smem:$0x3FB4] =	sst s0;
	s0 =	simm.s32 @!p1 $0x0  }
0x14: {  	s2 =	sld [smem:$0x3F98];
	s0 =	simm.s32 @p1 $0x1  }
0x15: {  	[smem:$0x3FB5] =	sst s0;
	s0 =	simm.s32 @!p2 $0x0  }
0x16: {  	s3 =	sld [smem:$0x3FDB];
	s0 =	simm.s32 @p2 $0x1  }
0x17: {  	s4 =	simm.s32 $0x1BF5;
	[smem:$0x3FB7] =	sst s0  }
0x18: {  	s0 =	sld [smem:$0x3F9A];
	_ =	swait.ge [sflag:s4], $0x0  }
0x19: {  	s7 =	sld [smem:$0x3F9B]  }
0x1a: {  	s8 =	sadd.s32 $0xFFFFE003, lr  }
0x1b: {  	s9 =	sadd.s32 $0xFFFFFEF7, lr;
	s5 =	simm.s32 $0xFFFFFFFF;
	p2 =	slt.u32 s8, $0xFFFFF086  }
0x1c: {  	p1 =	slt.u32 s9, $0xF7A;
	s5 =	simm.s32 @!p2 $0x0  }
0x1d: {  	s5 =	simm.s32 @p1 $0x1;
	p0 =	seq.s32 s7, s2  }
0x1e: {  	s7 =	smul.u32 @!p0 $0xF7A, s2;
	p2 =	seq.s32 @!p0 s5, $0x0  }
0x1f: {  	s9 =	smul.u32 $0xF7A, s1;
	s8 =	simm.s32 @!p0 $0x1BF5;
	p2 =	por !p2, p0  }
0x20: {  	[sflag:s8] =	ssyncset.s32 @!p0 $0xFFFFF086;
	s6 =	sadd.s32 @!p0 s3, s7;
	s7 =	simm.s32 @!p0 $0x108  }
0x21: {  	s3 =	sadd.s32 s3, s9;
	s6 =	sadd.s32 @!p0 $0x88, s6;
	s7 =	simm.s32 @p2 $0x1082  }
0x22: {  	[simem:s7], [sflag:s8] =	dma.local @!p0 [hbm:s6], $0xF7A  }
0x23: {  	s9 =	sor.u32 $0xD0000000, s2;
	s6 =	simm.s32 $0x108;
	_ =	swait.ge @!p0 [sflag:s8], $0x0  }
0x24: {  	s3 =	sadd.s32 $0x88, s3;
	s6 =	simm.s32 @!p1 $0x1082;
	[sflag:s4] =	ssyncset.s32 $0xFFFFF086  }
0x25: {  	[simem:s6], [sflag:s4] =	dma.local [hbm:s3], $0xF7A  }
0x26: {  	[smem:$0x3F9B] =	sst s1;
	(tag) =	ssettag s2;
	_ =	strace s9  }
0x27: {  	s1 =	sld [smem:$0x3FAB]  }
0x28: {  	s2 =	sld [smem:$0x3FAC]  }
0x29: {  	s4 =	sld [smem:$0x3FAE]  }
0x2a: {  	p0 =	seq.s32 s5, $0x0;
	s5 =	sld [smem:$0x3FAF]  }
0x2b: {  	s6 =	sld [smem:$0x3FB0]  }
0x2c: {  	s7 =	sld [smem:$0x3FB1]  }
0x2d: {  	s3 =	simm.s32 $0x108;
	s8 =	sld [smem:$0x3FB2]  }
0x2e: {  	s3 =	simm.s32 @!p0 $0x1082;
	s9 =	sld [smem:$0x3FB3]  }
0x2f: {  	lr =	sadd.s32 s0, s3;
	s0 =	sld [smem:$0x3FAA]  }
0x30: {  	s3 =	sld [smem:$0x3FAD]  }
0x31: {  	[smem:$0x3FB6] =	sst s10  }
0x32: {  	s10 =	sld [smem:$0x3FB4];
	_ =	sdelay $0x3  }
0x33: {  	p0 =	seq.s32 s10, $0x1;
	s10 =	sld [smem:$0x3FB6];
	_ =	sdelay $0x3  }
0x34: {  	[smem:$0x3FB6] =	sst s10  }
0x35: {  	s10 =	sld [smem:$0x3FB5];
	_ =	sdelay $0x3  }
0x36: {  	p1 =	seq.s32 s10, $0x1;
	s10 =	sld [smem:$0x3FB6];
	_ =	sdelay $0x3  }
0x37: {  	[smem:$0x3FB6] =	sst s10  }
0x38: {  	s10 =	sld [smem:$0x3FB7]  }
0x39: {  	_ = 	snop;
	(pc) =	sbr.ind lr, $3  }
0x3a: {  	_ = 	snop  }
0x3b: {  	_ = 	snop  }
0x3c: {  	p2 =	seq.s32 s10, $0x1;
	s10 =	sld [smem:$0x3FB6]  }
0x3d: {  	_ =	shalt  }
0x3e: {  	_ =	shalt  }
0x3f: {  	_ =	shalt  }
0x40: {  	_ =	shalt  }
0x41: {  	_ =	shalt  }
0x42: {  	_ =	shalt  }
0x43: {  	_ =	shalt  }
0x44: {  	_ =	shalt  }
0x45: {  	_ =	shalt  }
0x46: {  	_ =	shalt  }
0x47: {  	_ =	shalt  }
0x48: {  	_ =	shalt  }
0x49: {  	_ =	shalt  }
0x4a: {  	_ =	shalt  }
0x4b: {  	_ =	shalt  }
0x4c: {  	_ =	shalt  }
0x4d: {  	_ =	shalt  }
0x4e: {  	_ =	shalt  }
0x4f: {  	_ =	shalt  }
0x50: {  	_ =	shalt  }
0x51: {  	_ =	shalt  }
0x52: {  	_ =	shalt  }
0x53: {  	_ =	shalt  }
0x54: {  	_ =	shalt  }
0x55: {  	_ =	shalt  }
0x56: {  	_ =	shalt  }
0x57: {  	_ =	shalt  }
0x58: {  	_ =	shalt  }
0x59: {  	_ =	shalt  }
0x5a: {  	_ =	shalt  }
0x5b: {  	_ =	shalt  }
0x5c: {  	_ =	shalt  }
0x5d: {  	_ =	shalt  }
0x5e: {  	_ =	shalt  }
0x5f: {  	_ =	shalt  }
0x60: {  	_ =	shalt  }
0x61: {  	_ =	shalt  }
0x62: {  	_ =	shalt  }
0x63: {  	_ =	shalt  }
0x64: {  	_ =	shalt  }
0x65: {  	_ =	shalt  }
0x66: {  	_ =	shalt  }
0x67: {  	_ =	shalt  }
0x68: {  	_ =	shalt  }
0x69: {  	_ =	shalt  }
0x6a: {  	_ =	shalt  }
0x6b: {  	_ =	shalt  }
0x6c: {  	_ =	shalt  }
0x6d: {  	_ =	shalt  }
0x6e: {  	_ =	shalt  }
0x6f: {  	_ =	shalt  }
0x70: {  	_ =	shalt  }
0x71: {  	_ =	shalt  }
0x72: {  	_ =	shalt  }
0x73: {  	_ =	shalt  }
0x74: {  	_ =	shalt  }
0x75: {  	_ =	shalt  }
0x76: {  	_ =	shalt  }
0x77: {  	_ =	shalt  }
0x78: {  	_ =	shalt  }
0x79: {  	_ =	shalt  }
0x7a: {  	_ =	shalt  }
0x7b: {  	_ =	shalt  }
0x7c: {  	_ =	shalt  }
0x7d: {  	_ =	shalt  }
0x7e: {  	_ =	shalt  }
0x7f: {  	_ =	shalt  }
0x80: {  	_ =	shalt  }
0x81: {  	_ =	shalt  }
0x82: {  	_ =	shalt  }
0x83: {  	_ =	shalt  }
0x84: {  	_ =	shalt  }
0x85: {  	_ =	shalt  }
0x86: {  	_ =	shalt  }
0x87: {  	_ =	shalt  }
.Lfunc_end0:
.L_simem_size_0:
called_computation_lowered:
.L_overlay_start_0:
0x88: {  	s2 =	sld [smem:$0x3FD9]  }
0x89: {  	s3 =	sld [smem:$0x3FFE];
	_ =	sdelay $0x1  }
0x8a: {  	s1 =	srdreg.scid  }
0x8b: {  	s0 =	sand.u32 $0x1, s1  }
0x8c: {  	s18 =	sshll.u32 s0, $0xA;
	s2 =	sadd.s32 s3, s2  }
0x8d: {  	s2 =	sadd.s32 s2, s18  }
0x8e: {  	[smem:$0x3FC2] =	sst s2  }
0x8f: {  	_ = 	snop  }
0x90: {  	s2 =	sld [smem:$0x3FC9]  }
0x91: {  	s19 =	sld [smem:$0x3FC8]  }
0x92: {  	s4 =	sld [smem:$0x3FC7]  }
0x93: {  	s5 =	sld [smem:$0x3FC6]  }
0x94: {  	s6 =	sld [smem:$0x3FC5]  }
0x95: {  	s7 =	sld [smem:$0x3FC4]  }
0x96: {  	s8 =	sld [smem:$0x3FD0];
	(tm) =	ssettm $0x1  }
0x97: {  	s9 =	sld [smem:$0x3FFB];
	_ =	sdelay $0x3  }
0x98: {  	_ =	strace s9  }
0x99: {  	s9 =	sld [smem:$0x3FFC];
	_ =	sdelay $0x3  }
0x9a: {  	_ =	strace s9  }
0x9b: {  	s9 =	sld [smem:$0x3FFD];
	_ =	sdelay $0x3  }
0x9c: {  	_ =	strace s9  }
0x9d: {  	_ =	strace $0x8FFFFFFF  }
0x9e: {  	s20 =	sld [smem:$0x3FDB];
	_ =	sdelay $0x1  }
0x9f: {  	s10 =	simm.s32 $_scs_section_size  }
0xa0: {  	s11 =	simm.s32 $_size__tile_overlayer_lowered;
	s12 =	simm.s32 $_tile_overlayer_lowered  }
0xa1: {  	s23 =	simm.s32 $0x1BFF;
	s22 =	sshll.u32 s12, $0x1;
	s9 =	sadd.s32 s10, s20  }
0xa2: {  	s13 =	simm.s32 $0x0;
	s21 =	sshll.u32 s11, $0x1;
	s11 =	sadd.s32 s22, s9  }
0xa3: {  	[timem:s13], [sflag:s23] =	dma.local [hbm:s11], s21  }
0xa4: {  	_ =	swait.ge [sflag:s23], s21  }
0xa5: {  	s10 =	ssub.s32 $0x0, s21;
	[sflag:s23] =	ssyncset.done $0x0  }
0xa6: {  	[sflag:s23] =	ssyncadd.s32 s10;
	_ =	sdelay $0x1  }
0xa7: {  	s24 =	simm.s32 $0x1B8B  }
0xa8: {  	_ =	swait.ge [sflag:s24], $0x1  }
0xa9: {  	[sflag:s24] =	ssyncset.done $0x0  }
0xaa: {  	s25 =	simm.s32 $0x1B8E;
	[sflag:s24] =	ssyncadd.s32 $0xFFFFFFFF  }
0xab: {  	s26 =	simm.s32 $execute0_lowered;
	[smem:$0x3FD2] =	sst s25  }
0xac: {  	s10 =	sshll.u32 s26, $0x1;
	_ =	strace $0x80000046;
	[dreg:$0x1] =	wrdreg $0xFFFFFFFF  }
0xad: {  	s28 =	simm.s32 $_size_execute0_lowered;
	s9 =	sadd.s32 s9, s10;
	[dreg:$0x0] =	wrdreg $0x0  }
0xae: {  	s10 =	sshll.u32 s28, $0x1;
	[dreg:$0x2] =	wrdreg s9  }
0xaf: {  	[dreg:$0x3] =	wrdreg s10  }
0xb0: {  	[dreg:$0x4] =	wrdreg $0xC0  }
0xb1: {  	_ =	task [dreg:s13], $0x5FFFF  }
0xb2: {  	[dreg:$0x1] =	wrdreg $0xFFFFFFFF  }
0xb3: {  	[dreg:$0x0] =	wrdreg $0x60  }
0xb4: {  	[dreg:$0x2] =	wrdreg s2  }
0xb5: {  	[dreg:$0x3] =	wrdreg s19  }
0xb6: {  	[dreg:$0x4] =	wrdreg s4  }
0xb7: {  	[dreg:$0x5] =	wrdreg s5  }
0xb8: {  	[dreg:$0x6] =	wrdreg s6  }
0xb9: {  	[dreg:$0x7] =	wrdreg s7  }
0xba: {  	[dreg:$0x8] =	wrdreg s8  }
0xbb: {  	[dreg:$0x9] =	wrdreg $0x9  }
0xbc: {  	_ =	task.clear_ibuf [dreg:s13], $0xAFFFF;
	_ =	strace $0x90000046  }
0xbd: {  	s29 =	simm.s32 $0x9;
	_ =	strace $0x80000048  }
0xbe: {  	_ =	swait.ge [sflag:s29], $0x1  }
0xbf: {  	[sflag:s29] =	ssyncadd.s32 $0xFFFFFFFF  }
0xc0: {  	_ =	strace $0x90000048  }
0xc1: {  	_ =	sfence  }
0xc2: {  	s30 =	sld [smem:$0x0];
	_ =	sdelay $0x2  }
0xc3: {  	s31 =	sshll.u32 s1, $0xD;
	s1 =	sshrl.u32 s1, $0x2  }
0xc4: {  	s3 =	sand.u32 $0x4000, s31;
	s1 =	sadd.s32 s1, s30  }
0xc5: {  	s0 =	sor.u32 s3, s0;
	s1 =	sshll.u32 s1, $0x11  }
0xc6: {  	s0 =	sor.u32 s1, s0  }
0xc7: {  	s0 =	sadd.s32 $0x8F2B, s0  }
0xc8: {  	[sflag:s0] =	ssyncadd.remote.s32 $0x1  }
0xc9: {  	_ =	sfence.sel $0xFFFF  }
0xca: {  	[dreg:$0x0] =	wrdreg $0xFFFFFFFF;
	(pc) =	sbr.abs _section_cstart, $3  }
0xcb: {  	[dreg:$0x1] =	wrdreg $0xFFFFFFFF  }
0xcc: {  	_ =	task.clear_ibuf [dreg:s13], $0x2FFFF;
	_ =	strace $0x9FFFFFFF  }
0xcd: {  	(tm) =	ssettm $0x7FFFFFFF  }
tec
execute0_lowered:
.L_overlay_start_1:
0x0: {  	(tag) =	ssettag $0x1  }
0x1: {  	s0 =	rddreg [dreg:$0x0]  }
0x2: {  	s1 =	rddreg [dreg:$0x1]  }
0x3: {  	s3 =	rddreg [dreg:$0x4]  }
0x4: {  	s4 =	rddreg [dreg:$0x5]  }
0x5: {  	s2 =	rddreg [dreg:$0x6];
	s5 =	srdreg.scid;
	s6 =	simm.s32 $0x0  }
0x6: {  	s9 =	stileid.u32;
	s12 =	simm.s32 $0x200;
	s13 =	simm.s32 $0x1  }
0x7: {  	s14 =	simm.s32 $0x2;
	s15 =	simm.s32 $0x100;
	s21 =	simm.s32 $0x300  }
0x8: {  	s25 =	simm.s32 $0x4;
	s26 =	simm.s32 $0x5;
	s28 =	simm.s32 $0x6  }
0x9: {  	s29 =	simm.s32 $0x7;
	s31 =	simm.s32 $0x8;
	s16 =	simm.s32 $0xB  }
0xa: {  	s18 =	simm.s32 $0x3;
	s19 =	simm.s32 $0x0;
	s5 =	sand.u32 $0x1, s5  }
0xb: {  	s9 =	sshll.u32 s9, $0x7;
	s7 =	ssub.s32 $0x2, s5;
	s5 =	sshll.u32 s5, $0x6  }
0xc: {  	[smem:$0x7FF] =	sst s6;
	s8 =	sshrl.u32 s7, $0x1;
	s5 =	sor.u32 s5, s9  }
0xd: {  	_ =	strace $0x80000047;
	s11 =	ssub.s32 s7, s8;
	s7 =	sadd.s32 s0, s5  }
0xe: {  	s8 =	sadd.s32 s1, s5;
	s9 =	sadd.s32 s2, s5;
	s0 =	simm.s32 $0x9  }
0xf: {  	s5 =	simm.s32 $0xA;
	s10 =	sadd.s32 $0x20, s9;
	s11 =	smax.u32 s11, $0x1  }
.LBB2_1:
0x10: {  	[tilespmem:s6], [sflag:$0x1] =	stream.linear.gather [hbm4b:s7+s6], $0x200, $0x38;
	[tilespmem:$0xE00] =	vst v63  }
0x11: {  	_ = 	snop  }
0x12: {  	[tilespmem:s12], [sflag:$0x2] =	stream.linear.gather [hbm4b:s8+s6], $0x200, $0x38;
	[tilespmem:$0xE00] =	vst v63  }
0x13: {  	_ =	swait.ge [sflag:s13], $0x200  }
0x14: {  	[sflag:s13] =	ssyncset.done $0x0  }
0x15: {  	[sflag:s13] =	ssyncadd.s32 $0xFFFFFE00  }
0x16: {  	_ =	swait.ge [sflag:s14], $0x200  }
0x17: {  	[sflag:s14] =	ssyncset.done $0x0  }
0x18: {  	[sflag:s14] =	ssyncadd.s32 $0xFFFFFE00  }
0x19: {  	s2 =	simm.s32 $0x400;
	s1 =	rddreg [dreg:$0x2]  }
0x1a: {  	[tilespmem:s2], [sflag:$0x4] =	stream.indirect.gather [hbm4b:s1+s15], $0x1, s6, s15, $0xb8;
	[tilespmem:$0xE00] =	vst v63  }
0x1b: {  	s17 =	simm.s32 $0x600;
	s2 =	rddreg [dreg:$0x3]  }
0x1c: {  	[tilespmem:s17], [sflag:$0x5] =	stream.indirect.gather [hbm4b:s2+s15], $0x1, s12, s15, $0xb8;
	[tilespmem:$0xE00] =	vst v63  }
0x1d: {  	s23 =	simm.s32 $0x800  }
0x1e: {  	[tilespmem:s23], [sflag:$0x6] =	stream.indirect.gather [hbm4b:s3+s15], $0x1, s12, s15, $0xb8;
	[tilespmem:$0xE00] =	vst v63  }
0x1f: {  	s24 =	simm.s32 $0xA00  }
0x20: {  	[tilespmem:s24], [sflag:$0x7] =	stream.indirect.gather [hbm4b:s4+s15], $0x1, s12, s15, $0xb8;
	[tilespmem:$0xE00] =	vst v63  }
0x21: {  	s20 =	simm.s32 $0x500  }
0x22: {  	[tilespmem:s20], [sflag:$0x8] =	stream.indirect.gather [hbm4b:s1+s15], $0x1, s15, s15, $0xb8;
	[tilespmem:$0xE00] =	vst v63  }
0x23: {  	s22 =	simm.s32 $0x700  }
0x24: {  	[tilespmem:s22], [sflag:$0x9] =	stream.indirect.gather [hbm4b:s2+s15], $0x1, s21, s15, $0xb8;
	[tilespmem:$0xE00] =	vst v63  }
0x25: {  	s23 =	simm.s32 $0x900  }
0x26: {  	[tilespmem:s23], [sflag:$0xA] =	stream.indirect.gather [hbm4b:s3+s15], $0x1, s21, s15, $0xb8;
	[tilespmem:$0xE00] =	vst v63  }
0x27: {  	s24 =	simm.s32 $0xB00  }
0x28: {  	[tilespmem:s24], [sflag:$0xB] =	stream.indirect.gather [hbm4b:s4+s15], $0x1, s21, s15, $0xb8;
	[tilespmem:$0xE00] =	vst v63  }
0x29: {  	_ =	swait.ge [sflag:s25], $0x100  }
0x2a: {  	[sflag:s25] =	ssyncset.done $0x0  }
0x2b: {  	[sflag:s25] =	ssyncadd.s32 $0xFFFFFF00  }
0x2c: {  	_ =	swait.ge [sflag:s26], $0x100  }
0x2d: {  	[sflag:s26] =	ssyncset.done $0x0  }
0x2e: {  	[sflag:s26] =	ssyncadd.s32 $0xFFFFFF00  }
0x2f: {  	_ =	swait.ge [sflag:s28], $0x100  }
0x30: {  	[sflag:s28] =	ssyncset.done $0x0  }
0x31: {  	[sflag:s28] =	ssyncadd.s32 $0xFFFFFF00  }
0x32: {  	_ =	swait.ge [sflag:s29], $0x100  }
0x33: {  	[sflag:s29] =	ssyncset.done $0x0  }
0x34: {  	s30 =	simm.s32 $0x0;
	[sflag:s29] =	ssyncadd.s32 $0xFFFFFF00  }
0x35: {  	v0 =	vld [tilespmem:s30+$0x800]  }
0x36: {  	v1 =	vld [tilespmem:s30+$0x600]  }
0x37: {  	v2 =	vld [tilespmem:s30+$0x400];
	_ =	sdelay $0x2  }
0x38: {  	v0 =	vsub.f32 $0.0e+00, v0  }
0x39: {  	v1 =	vsub.f32 $0.0e+00, v1  }
0x3a: {  	v2 =	vsub.f32 $0.0e+00, v2;
	v0 =	vmul.f32 $1.442695020e+00, v0  }
0x3b: {  	s22 =	simm.s32 $0x10;
	v1 =	vmul.f32 $1.442695020e+00, v1  }
0x3c: {  	v2 =	vmul.f32 $1.442695020e+00, v2;
	(erf) = vpow2.f32 v0;
	v0 =	vld [tilespmem:s22+$0x800]  }
0x3d: {  	(erf) = vpow2.f32 v1  }
0x3e: {  	(erf) = vpow2.f32 v2  }
0x3f: {  	v1 =	vld [tilespmem:s22+$0x600]  }
0x40: {  	v2 =	vld [tilespmem:s22+$0x400]  }
0x41: {  	v0 =	vsub.f32 $0.0e+00, v0;
	_ =	sdelay $0x1  }
0x42: {  	v0 =	vmul.f32 $1.442695020e+00, v0  }
0x43: {  	v1 =	vsub.f32 $0.0e+00, v1  }
0x44: {  	v2 =	vsub.f32 $0.0e+00, v2;
	v3 =	vpop (erf)  }
0x45: {  	v1 =	vmul.f32 $1.442695020e+00, v1;
	v4 =	vpop (erf)  }
0x46: {  	v2 =	vmul.f32 $1.442695020e+00, v2;
	(erf) = vpow2.f32 v0;
	v0 =	vpop (erf)  }
0x47: {  	s23 =	simm.s32 $0x20;
	(erf) = vpow2.f32 v1;
	v1 =	vadd.f32 $1.000000000e+00, v4;
	v4 =	vadd.f32 $1.000000000e+00, v0  }
0x48: {  	v5 =	vld [tilespmem:s23+$0x800];
	(erf) = vpow2.f32 v2  }
0x49: {  	v2 =	vld [tilespmem:s23+$0x600];
	v1 =	vmul.f32 v1, v4;
	v4 =	vadd.f32 $1.000000000e+00, v3  }
0x4a: {  	v6 =	vld [tilespmem:s23+$0x400]  }
0x4b: {  	v1 =	vmul.f32 v4, v1;
	_ =	sdelay $0x1  }
0x4c: {  	v4 =	vsub.f32 $0.0e+00, v5;
	(erf) = vrcp.f32 v1  }
0x4d: {  	v1 =	vsub.f32 $0.0e+00, v2  }
0x4e: {  	s20 =	simm.s32 $0x30;
	v2 =	vsub.f32 $0.0e+00, v6;
	v4 =	vmul.f32 $1.442695020e+00, v4;
	v5 =	vpop (erf)  }
0x4f: {  	v8 =	vld [tilespmem:s20+$0x800];
	v6 =	vpop (erf);
	v1 =	vmul.f32 $1.442695020e+00, v1  }
0x50: {  	v2 =	vmul.f32 $1.442695020e+00, v2;
	(erf) = vpow2.f32 v4;
	v4 =	vld [tilespmem:s30+$0xA00];
	v7 =	vpop (erf)  }
0x51: {  	v9 =	vld [tilespmem:s20+$0x600];
	(erf) = vpow2.f32 v1;
	v1 =	vadd.f32 $1.000000000e+00, v6;
	v6 =	vadd.f32 $1.000000000e+00, v7  }
0x52: {  	v0 =	vsub.f32 v3, v0  }
0x53: {  	(erf) = vpow2.f32 v2;
	v2 =	vadd.f32 $1.000000000e+00, v5;
	v1 =	vmul.f32 v1, v6  }
0x54: {  	v0 =	vmul.f32 $-5.446400070e+01, v0  }
0x55: {  	v3 =	vld [tilespmem:s20+$0x400];
	v1 =	vmul.f32 v2, v1;
	v2 =	vsub.f32 $0.0e+00, v4;
	v4 =	vpop (erf)  }
0x56: {  	v6 =	vsub.f32 $0.0e+00, v8;
	v0 =	vmul.f32 v4, v0;
	v4 =	vsub.f32 $0.0e+00, v9  }
0x57: {  	(erf) = vrcp.f32 v1;
	v1 =	vmul.f32 $1.442695020e+00, v2  }
0x58: {  	v4 =	vmul.f32 $1.442695020e+00, v4  }
0x59: {  	v2 =	vmul.f32 $1.442695020e+00, v6;
	v0 =	vadd.f32 $0.0e+00, v0  }
0x5a: {  	s24 =	simm.s32 $0x40;
	v3 =	vsub.f32 $0.0e+00, v3;
	v6 =	vpop (erf);
	(erf) = vpow2.f32 v1  }
0x5b: {  	v8 =	vld [tilespmem:s24+$0x800];
	(erf) = vpow2.f32 v2;
	v1 =	vpop (erf);
	v0 =	vmul.f32 $1.442695020e+00, v0  }
0x5c: {  	v3 =	vmul.f32 $1.442695020e+00, v3;
	v9 =	vld [tilespmem:s24+$0x400];
	(erf) = vpow2.f32 v4;
	v4 =	vpop (erf)  }
0x5d: {  	v2 =	vld [tilespmem:s22+$0xA00];
	v1 =	vadd.f32 $1.000000000e+00, v1;
	(erf) = vpow2.f32 v0;
	v10 =	vadd.f32 $1.000000000e+00, v4  }
0x5e: {  	(erf) = vpow2.f32 v3;
	v3 =	vsub.f32 v5, v7;
	v5 =	vadd.f32 $1.000000000e+00, v6  }
0x5f: {  	v0 =	vld [tilespmem:s24+$0x600]  }
0x60: {  	v1 =	vmul.f32 v1, v10  }
0x61: {  	v8 =	vsub.f32 $0.0e+00, v8;
	v7 =	vsub.f32 $0.0e+00, v9;
	v3 =	vmul.f32 $-5.446400070e+01, v3  }
0x62: {  	v2 =	vsub.f32 $0.0e+00, v2;
	v1 =	vmul.f32 v5, v1;
	v5 =	vpop (erf)  }
0x63: {  	v3 =	vmul.f32 v5, v3;
	v5 =	vmul.f32 $1.442695020e+00, v8  }
0x64: {  	v0 =	vsub.f32 $0.0e+00, v0;
	v9 =	vpop (erf);
	(erf) = vrcp.f32 v1;
	v1 =	vmul.f32 $1.442695020e+00, v2  }
0x65: {  	v2 =	vmul.f32 $1.442695020e+00, v7;
	v7 =	vpop (erf);
	v3 =	vadd.f32 $0.0e+00, v3  }
0x66: {  	v0 =	vmul.f32 $1.442695020e+00, v0;
	v8 =	vpop (erf);
	(erf) = vpow2.f32 v1  }
0x67: {  	(erf) = vpow2.f32 v5;
	v3 =	vmul.f32 $1.442695020e+00, v3;
	v5 =	vpop (erf)  }
0x68: {  	v10 =	vadd.f32 $1.000000000e+00, v9;
	(erf) = vpow2.f32 v0;
	v12 =	vpop (erf);
	v13 =	vadd.f32 $1.000000000e+00, v5  }
0x69: {  	s17 =	simm.s32 $0x50;
	v1 =	vld [tilespmem:s23+$0xA00];
	v0 =	vadd.f32 $1.000000000e+00, v8;
	v8 =	vadd.f32 $1.000000000e+00, v12;
	(erf) = vpow2.f32 v3  }
0x6a: {  	v11 =	vld [tilespmem:s17+$0x800];
	(erf) = vpow2.f32 v2;
	v2 =	vsub.f32 v6, v4;
	v4 =	vmul.f32 v13, v10  }
0x6b: {  	v5 =	vld [tilespmem:s17+$0x400];
	v6 =	vadd.f32 $1.000000000e+00, v7;
	v0 =	vmul.f32 v0, v8  }
0x6c: {  	v3 =	vld [tilespmem:s17+$0x600]  }
0x6d: {  	v2 =	vmul.f32 $-5.446400070e+01, v2;
	v0 =	vmul.f32 v6, v0  }
0x6e: {  	v1 =	vsub.f32 $0.0e+00, v1;
	(erf) = vrcp.f32 v4;
	v4 =	vpop (erf)  }
0x6f: {  	v6 =	vsub.f32 $0.0e+00, v11;
	v2 =	vmul.f32 v4, v2  }
0x70: {  	v5 =	vsub.f32 $0.0e+00, v5;
	v4 =	vmul.f32 $1.442695020e+00, v1  }
0x71: {  	v3 =	vsub.f32 $0.0e+00, v3;
	(erf) = vrcp.f32 v0;
	v0 =	vpop (erf);
	v2 =	vadd.f32 $0.0e+00, v2  }
0x72: {  	v8 =	vmul.f32 $1.442695020e+00, v5;
	v5 =	vmul.f32 $1.442695020e+00, v6;
	v1 =	vpop (erf)  }
0x73: {  	v3 =	vmul.f32 $1.442695020e+00, v3;
	(erf) = vpow2.f32 v4;
	v6 =	vpop (erf)  }
0x74: {  	s1 =	simm.s32 $0x60;
	v11 =	vadd.f32 $1.000000000e+00, v0;
	(erf) = vpow2.f32 v5;
	v10 =	vmul.f32 $1.442695020e+00, v2;
	v5 =	vld [tilespmem:s20+$0xA00];
	v4 =	vpop (erf)  }
0x75: {  	(erf) = vpow2.f32 v3;
	v14 =	vadd.f32 $1.000000000e+00, v6;
	v6 =	vld [tilespmem:s1+$0x400];
	v2 =	vpop (erf);
	v3 =	vadd.f32 $1.000000000e+00, v4  }
0x76: {  	v13 =	vadd.f32 v13, v9;
	v4 =	vld [tilespmem:s1+$0x800];
	(erf) = vpow2.f32 v10;
	v15 =	vadd.f32 $1.000000000e+00, v2  }
0x77: {  	v10 =	vsub.f32 v7, v12;
	v7 =	vld [tilespmem:s1+$0x600];
	(erf) = vpow2.f32 v8;
	v8 =	vpop (erf);
	v9 =	vmul.f32 v3, v11  }
0x78: {  	s2 =	simm.s32 $0x1C0;
	v12 =	vadd.f32 $1.000000000e+00, v1;
	v8 =	vmul.f32 v8, v13;
	v11 =	vmul.f32 v14, v15  }
.LBB2_2:
0x79: {  	p0 =	sne.s32 s2, $0x3C0;
	v13 =	vmul.f32 $-5.446400070e+01, v10;
	(erf) = vrcp.f32 v9;
	v9 =	vmov v3  }
0x7a: {  	v5 =	vsub.f32 $0.0e+00, v5;
	v3 =	vmul.f32 v12, v11;
	v11 =	vpop (erf);
	[tilespmem:s30+$0xC00] =	vst v8;
	s30 =	smov.u32 s22;
	s22 =	smov.u32 s23;
	s23 =	smov.u32 s20  }
0x7b: {  	v4 =	vsub.f32 $0.0e+00, v4;
	s20 =	smov.u32 s24;
	s24 =	smov.u32 s17;
	s17 =	smov.u32 s1;
	v6 =	vsub.f32 $0.0e+00, v6;
	v12 =	vmul.f32 v11, v13  }
0x7c: {  	v15 =	vmul.f32 $1.442695020e+00, v5;
	v7 =	vsub.f32 $0.0e+00, v7;
	(erf) = vrcp.f32 v3;
	v10 =	vpop (erf)  }
0x7d: {  	v4 =	vmul.f32 $1.442695020e+00, v4;
	v11 =	vmul.f32 $1.442695020e+00, v6;
	v13 =	vpop (erf);
	v6 =	vadd.f32 $0.0e+00, v12  }
0x7e: {  	v7 =	vmul.f32 $1.442695020e+00, v7;
	v8 =	vpop (erf);
	(erf) = vpow2.f32 v15  }
.Ltmp0:
0x7f: {  	s1 =	sshra.s32 s2, $0x2;
	v14 =	vadd.f32 $1.000000000e+00, v10;
	(erf) = vpow2.f32 v4;
	v5 =	vld [tilespmem:s20+$0xA00];
	v12 =	vmul.f32 $1.442695020e+00, v6;
	v3 =	vpop (erf);
	(pc) =	sbr.rel @p0 .LBB2_2-.Ltmp0, $4  }
0x80: {  	v8 =	vadd.f32 $1.000000000e+00, v8;
	v4 =	vld [tilespmem:s1+$0x800];
	(erf) = vpow2.f32 v7;
	v15 =	vpop (erf);
	v3 =	vadd.f32 $1.000000000e+00, v3  }
0x81: {  	v17 =	vadd.f32 v9, v0;
	v0 =	vmovc v10;
	v6 =	vld [tilespmem:s1+$0x400];
	v16 =	vadd.f32 $1.000000000e+00, v15;
	(erf) = vpow2.f32 v12  }
0x82: {  	v10 =	vsub.f32 v1, v2;
	v7 =	vld [tilespmem:s1+$0x600];
	(erf) = vpow2.f32 v11;
	v9 =	vmul.f32 v3, v14;
	v1 =	vpop (erf)  }
0x83: {  	s2 =	sadd.s32 $0x40, s2;
	v12 =	vadd.f32 $1.000000000e+00, v13;
	v2 =	vmovc v15;
	v11 =	vmul.f32 v8, v16;
	v8 =	vmul.f32 v1, v17;
	v1 =	vmovc v13  }
0x84: {  	v10 =	vmul.f32 $-5.446400070e+01, v10  }
0x85: {  	v5 =	vsub.f32 $0.0e+00, v5;
	v13 =	vpop (erf)  }
0x86: {  	v11 =	vmul.f32 v12, v11;
	v4 =	vsub.f32 $0.0e+00, v4;
	v10 =	vmul.f32 v13, v10  }
0x87: {  	(erf) = vrcp.f32 v9;
	v5 =	vmul.f32 $1.442695020e+00, v5;
	v7 =	vsub.f32 $0.0e+00, v7  }
0x88: {  	(erf) = vrcp.f32 v11;
	v4 =	vmul.f32 $1.442695020e+00, v4;
	v9 =	vadd.f32 $0.0e+00, v10  }
0x89: {  	v6 =	vsub.f32 $0.0e+00, v6;
	(erf) = vpow2.f32 v5;
	v7 =	vmul.f32 $1.442695020e+00, v7  }
0x8a: {  	(erf) = vpow2.f32 v4;
	v4 =	vmul.f32 $1.442695020e+00, v9  }
0x8b: {  	v6 =	vmul.f32 $1.442695020e+00, v6  }
0x8c: {  	v5 =	vpop (erf)  }
0x8d: {  	(erf) = vpow2.f32 v7;
	v7 =	vpop (erf)  }
0x8e: {  	(erf) = vpow2.f32 v4;
	v4 =	vpop (erf)  }
0x8f: {  	(erf) = vpow2.f32 v6;
	v6 =	vpop (erf)  }
0x90: {  	v1 =	vsub.f32 v1, v2;
	[tilespmem:s30+$0xC00] =	vst v8;
	v9 =	vpop (erf)  }
0x91: {  	v8 =	vld [tilespmem:s24+$0xA00];
	v4 =	vadd.f32 $1.000000000e+00, v4;
	v10 =	vadd.f32 $1.000000000e+00, v9  }
0x92: {  	v12 =	vadd.f32 $1.000000000e+00, v5;
	v6 =	vadd.f32 $1.000000000e+00, v6;
	v2 =	vpop (erf)  }
0x93: {  	v11 =	vpop (erf);
	v4 =	vmul.f32 v4, v10;
	v10 =	vadd.f32 $1.000000000e+00, v7  }
0x94: {  	v1 =	vmul.f32 $-5.446400070e+01, v1;
	v12 =	vmul.f32 v6, v12;
	v13 =	vpop (erf)  }
0x95: {  	v14 =	vpop (erf)  }
0x96: {  	v8 =	vsub.f32 $0.0e+00, v8;
	v1 =	vmul.f32 v11, v1;
	v11 =	vpop (erf)  }
0x97: {  	v4 =	vmul.f32 v10, v4;
	(erf) = vrcp.f32 v12;
	v10 =	vpop (erf)  }
0x98: {  	v0 =	vadd.f32 v3, v0;
	v8 =	vmul.f32 $1.442695020e+00, v8;
	v1 =	vadd.f32 $0.0e+00, v1;
	v12 =	vpop (erf)  }
0x99: {  	(erf) = vrcp.f32 v4;
	v4 =	vadd.f32 $1.000000000e+00, v11;
	v11 =	vadd.f32 $1.000000000e+00, v12  }
0x9a: {  	v0 =	vmul.f32 v2, v0;
	v15 =	vadd.f32 $1.000000000e+00, v13;
	v10 =	vadd.f32 $1.000000000e+00, v10  }
0x9b: {  	v1 =	vmul.f32 $1.442695020e+00, v1;
	v4 =	vmul.f32 v4, v11;
	v11 =	vadd.f32 $1.000000000e+00, v14  }
0x9c: {  	(erf) = vpow2.f32 v8;
	v3 =	vmul.f32 v10, v15  }
0x9d: {  	(erf) = vpow2.f32 v1;
	v1 =	vmul.f32 v11, v4  }
0x9e: {  	(erf) = vrcp.f32 v3  }
0x9f: {  	[tilespmem:s22+$0xC00] =	vst v0;
	v0 =	vadd.f32 v6, v5;
	(erf) = vrcp.f32 v1  }
0xa0: {  	v3 =	vsub.f32 v7, v9;
	v2 =	vpop (erf)  }
0xa1: {  	v0 =	vmul.f32 v2, v0  }
0xa2: {  	v1 =	vld [tilespmem:s17+$0xA00];
	_ =	sdelay $0x1  }
0xa3: {  	v2 =	vmul.f32 $-5.446400070e+01, v3;
	v3 =	vpop (erf);
	[tilespmem:s23+$0xC00] =	vst v0  }
0xa4: {  	v5 =	vsub.f32 v14, v12;
	v4 =	vld [tilespmem:s1+$0xA00];
	v0 =	vpop (erf)  }
0xa5: {  	v2 =	vmul.f32 v3, v2;
	v3 =	vpop (erf)  }
0xa6: {  	v5 =	vmul.f32 $-5.446400070e+01, v5;
	v1 =	vsub.f32 $0.0e+00, v1;
	v6 =	vpop (erf)  }
0xa7: {  	v2 =	vadd.f32 $0.0e+00, v2;
	v8 =	vadd.f32 $1.000000000e+00, v0;
	v7 =	vpop (erf)  }
0xa8: {  	v3 =	vadd.f32 $1.000000000e+00, v3;
	v1 =	vmul.f32 $1.442695020e+00, v1;
	v5 =	vmul.f32 v7, v5  }
0xa9: {  	v2 =	vmul.f32 $1.442695020e+00, v2;
	v4 =	vsub.f32 $0.0e+00, v4  }
0xaa: {  	(erf) = vpow2.f32 v1;
	v1 =	vmul.f32 v3, v8;
	v5 =	vadd.f32 $0.0e+00, v5  }
0xab: {  	(erf) = vpow2.f32 v2;
	v2 =	vmul.f32 $1.442695020e+00, v4  }
0xac: {  	(erf) = vrcp.f32 v1;
	v1 =	vmul.f32 $1.442695020e+00, v5  }
0xad: {  	(erf) = vpow2.f32 v2  }
0xae: {  	(erf) = vpow2.f32 v1;
	_ =	sdelay $0x4  }
0xaf: {  	v1 =	vpop (erf)  }
0xb0: {  	v2 =	vpop (erf)  }
0xb1: {  	v4 =	vpop (erf)  }
0xb2: {  	v5 =	vpop (erf)  }
0xb3: {  	v7 =	vadd.f32 $1.000000000e+00, v1;
	v2 =	vadd.f32 $1.000000000e+00, v2;
	v8 =	vpop (erf)  }
0xb4: {  	v9 =	vadd.f32 $1.000000000e+00, v5;
	v8 =	vadd.f32 $1.000000000e+00, v8  }
0xb5: {  	v7 =	vmul.f32 v2, v7  }
0xb6: {  	v9 =	vmul.f32 v8, v9  }
0xb7: {  	(erf) = vrcp.f32 v7  }
0xb8: {  	(erf) = vrcp.f32 v9;
	_ =	sdelay $0x4  }
0xb9: {  	v7 =	vadd.f32 v10, v13  }
0xba: {  	v0 =	vadd.f32 v3, v0  }
0xbb: {  	v1 =	vadd.f32 v2, v1;
	v3 =	vmul.f32 v6, v7  }
0xbc: {  	v0 =	vmul.f32 v4, v0;
	v4 =	vadd.f32 v8, v5;
	v2 =	vpop (erf)  }
0xbd: {  	[tilespmem:s20+$0xC00] =	vst v3;
	v1 =	vmul.f32 v2, v1;
	v2 =	vpop (erf)  }
0xbe: {  	[tilespmem:s24+$0xC00] =	vst v0;
	v0 =	vmul.f32 v2, v4  }
0xbf: {  	[tilespmem:s17+$0xC00] =	vst v1  }
0xc0: {  	s2 =	simm.s32 $0xC00;
	s24 =	simm.s32 $0x0;
	[tilespmem:s1+$0xC00] =	vst v0  }
0xc1: {  	[hbm4b:s9+s24] =	stream.linear.scatter [tilespmem:s2], [sflag:$0x3], $0x100, $0x38;
	[tilespmem:$0xE00] =	vst v63  }
0xc2: {  	_ =	swait.ge [sflag:s31], $0x100  }
0xc3: {  	[sflag:s31] =	ssyncset.done $0x0  }
0xc4: {  	[sflag:s31] =	ssyncadd.s32 $0xFFFFFF00  }
0xc5: {  	_ =	swait.ge [sflag:s0], $0x100  }
0xc6: {  	[sflag:s0] =	ssyncset.done $0x0  }
0xc7: {  	[sflag:s0] =	ssyncadd.s32 $0xFFFFFF00  }
0xc8: {  	_ =	swait.ge [sflag:s5], $0x100  }
0xc9: {  	[sflag:s5] =	ssyncset.done $0x0  }
0xca: {  	[sflag:s5] =	ssyncadd.s32 $0xFFFFFF00  }
0xcb: {  	_ =	swait.ge [sflag:s16], $0x100  }
0xcc: {  	[sflag:s16] =	ssyncset.done $0x0  }
0xcd: {  	s30 =	simm.s32 $0x0;
	[sflag:s16] =	ssyncadd.s32 $0xFFFFFF00  }
0xce: {  	v0 =	vld [tilespmem:s30+$0x900]  }
0xcf: {  	v1 =	vld [tilespmem:s30+$0x700]  }
0xd0: {  	v2 =	vld [tilespmem:s30+$0x500];
	_ =	sdelay $0x2  }
0xd1: {  	v0 =	vsub.f32 $0.0e+00, v0  }
0xd2: {  	v1 =	vsub.f32 $0.0e+00, v1  }
0xd3: {  	v2 =	vsub.f32 $0.0e+00, v2;
	v0 =	vmul.f32 $1.442695020e+00, v0  }
0xd4: {  	s22 =	simm.s32 $0x10;
	v1 =	vmul.f32 $1.442695020e+00, v1  }
0xd5: {  	v2 =	vmul.f32 $1.442695020e+00, v2;
	(erf) = vpow2.f32 v0;
	v0 =	vld [tilespmem:s22+$0x900]  }
0xd6: {  	(erf) = vpow2.f32 v1  }
0xd7: {  	(erf) = vpow2.f32 v2  }
0xd8: {  	v1 =	vld [tilespmem:s22+$0x700]  }
0xd9: {  	v2 =	vld [tilespmem:s22+$0x500]  }
0xda: {  	v0 =	vsub.f32 $0.0e+00, v0;
	_ =	sdelay $0x1  }
0xdb: {  	v0 =	vmul.f32 $1.442695020e+00, v0  }
0xdc: {  	v1 =	vsub.f32 $0.0e+00, v1  }
0xdd: {  	v2 =	vsub.f32 $0.0e+00, v2;
	v3 =	vpop (erf)  }
0xde: {  	v1 =	vmul.f32 $1.442695020e+00, v1;
	v4 =	vpop (erf)  }
0xdf: {  	v2 =	vmul.f32 $1.442695020e+00, v2;
	(erf) = vpow2.f32 v0;
	v0 =	vpop (erf)  }
0xe0: {  	s23 =	simm.s32 $0x20;
	(erf) = vpow2.f32 v1;
	v1 =	vadd.f32 $1.000000000e+00, v4;
	v4 =	vadd.f32 $1.000000000e+00, v0  }
0xe1: {  	v5 =	vld [tilespmem:s23+$0x900];
	(erf) = vpow2.f32 v2  }
0xe2: {  	v2 =	vld [tilespmem:s23+$0x700];
	v1 =	vmul.f32 v1, v4;
	v4 =	vadd.f32 $1.000000000e+00, v3  }
0xe3: {  	v6 =	vld [tilespmem:s23+$0x500]  }
0xe4: {  	v1 =	vmul.f32 v4, v1;
	_ =	sdelay $0x1  }
0xe5: {  	v4 =	vsub.f32 $0.0e+00, v5;
	(erf) = vrcp.f32 v1  }
0xe6: {  	v1 =	vsub.f32 $0.0e+00, v2  }
0xe7: {  	s20 =	simm.s32 $0x30;
	v2 =	vsub.f32 $0.0e+00, v6;
	v4 =	vmul.f32 $1.442695020e+00, v4;
	v5 =	vpop (erf)  }
0xe8: {  	v8 =	vld [tilespmem:s20+$0x900];
	v6 =	vpop (erf);
	v1 =	vmul.f32 $1.442695020e+00, v1  }
0xe9: {  	v2 =	vmul.f32 $1.442695020e+00, v2;
	(erf) = vpow2.f32 v4;
	v4 =	vld [tilespmem:s30+$0xB00];
	v7 =	vpop (erf)  }
0xea: {  	v9 =	vld [tilespmem:s20+$0x700];
	(erf) = vpow2.f32 v1;
	v1 =	vadd.f32 $1.000000000e+00, v6;
	v6 =	vadd.f32 $1.000000000e+00, v7  }
0xeb: {  	v0 =	vsub.f32 v3, v0  }
0xec: {  	(erf) = vpow2.f32 v2;
	v2 =	vadd.f32 $1.000000000e+00, v5;
	v1 =	vmul.f32 v1, v6  }
0xed: {  	v0 =	vmul.f32 $-5.446400070e+01, v0  }
0xee: {  	v3 =	vld [tilespmem:s20+$0x500];
	v1 =	vmul.f32 v2, v1;
	v2 =	vsub.f32 $0.0e+00, v4;
	v4 =	vpop (erf)  }
0xef: {  	v6 =	vsub.f32 $0.0e+00, v8;
	v0 =	vmul.f32 v4, v0;
	v4 =	vsub.f32 $0.0e+00, v9  }
0xf0: {  	(erf) = vrcp.f32 v1;
	v1 =	vmul.f32 $1.442695020e+00, v2  }
0xf1: {  	v4 =	vmul.f32 $1.442695020e+00, v4  }
0xf2: {  	v2 =	vmul.f32 $1.442695020e+00, v6;
	v0 =	vadd.f32 $0.0e+00, v0  }
0xf3: {  	s24 =	simm.s32 $0x40;
	v3 =	vsub.f32 $0.0e+00, v3;
	v6 =	vpop (erf);
	(erf) = vpow2.f32 v1  }
0xf4: {  	v8 =	vld [tilespmem:s24+$0x900];
	(erf) = vpow2.f32 v2;
	v1 =	vpop (erf);
	v0 =	vmul.f32 $1.442695020e+00, v0  }
0xf5: {  	v3 =	vmul.f32 $1.442695020e+00, v3;
	v9 =	vld [tilespmem:s24+$0x500];
	(erf) = vpow2.f32 v4;
	v4 =	vpop (erf)  }
0xf6: {  	v2 =	vld [tilespmem:s22+$0xB00];
	v1 =	vadd.f32 $1.000000000e+00, v1;
	(erf) = vpow2.f32 v0;
	v10 =	vadd.f32 $1.000000000e+00, v4  }
0xf7: {  	(erf) = vpow2.f32 v3;
	v3 =	vsub.f32 v5, v7;
	v5 =	vadd.f32 $1.000000000e+00, v6  }
0xf8: {  	v0 =	vld [tilespmem:s24+$0x700]  }
0xf9: {  	v1 =	vmul.f32 v1, v10  }
0xfa: {  	v8 =	vsub.f32 $0.0e+00, v8;
	v7 =	vsub.f32 $0.0e+00, v9;
	v3 =	vmul.f32 $-5.446400070e+01, v3  }
0xfb: {  	v2 =	vsub.f32 $0.0e+00, v2;
	v1 =	vmul.f32 v5, v1;
	v5 =	vpop (erf)  }
0xfc: {  	v3 =	vmul.f32 v5, v3;
	v5 =	vmul.f32 $1.442695020e+00, v8  }
0xfd: {  	v0 =	vsub.f32 $0.0e+00, v0;
	v9 =	vpop (erf);
	(erf) = vrcp.f32 v1;
	v1 =	vmul.f32 $1.442695020e+00, v2  }
0xfe: {  	v2 =	vmul.f32 $1.442695020e+00, v7;
	v7 =	vpop (erf);
	v3 =	vadd.f32 $0.0e+00, v3  }
0xff: {  	v0 =	vmul.f32 $1.442695020e+00, v0;
	v8 =	vpop (erf);
	(erf) = vpow2.f32 v1  }
0x100: {  	(erf) = vpow2.f32 v5;
	v3 =	vmul.f32 $1.442695020e+00, v3;
	v5 =	vpop (erf)  }
0x101: {  	v10 =	vadd.f32 $1.000000000e+00, v9;
	(erf) = vpow2.f32 v0;
	v12 =	vpop (erf);
	v13 =	vadd.f32 $1.000000000e+00, v5  }
0x102: {  	s17 =	simm.s32 $0x50;
	v1 =	vld [tilespmem:s23+$0xB00];
	v0 =	vadd.f32 $1.000000000e+00, v8;
	v8 =	vadd.f32 $1.000000000e+00, v12;
	(erf) = vpow2.f32 v3  }
0x103: {  	v11 =	vld [tilespmem:s17+$0x900];
	(erf) = vpow2.f32 v2;
	v2 =	vsub.f32 v6, v4;
	v4 =	vmul.f32 v13, v10  }
0x104: {  	v5 =	vld [tilespmem:s17+$0x500];
	v6 =	vadd.f32 $1.000000000e+00, v7;
	v0 =	vmul.f32 v0, v8  }
0x105: {  	v3 =	vld [tilespmem:s17+$0x700]  }
0x106: {  	v2 =	vmul.f32 $-5.446400070e+01, v2;
	v0 =	vmul.f32 v6, v0  }
0x107: {  	v1 =	vsub.f32 $0.0e+00, v1;
	(erf) = vrcp.f32 v4;
	v4 =	vpop (erf)  }
0x108: {  	v6 =	vsub.f32 $0.0e+00, v11;
	v2 =	vmul.f32 v4, v2  }
0x109: {  	v5 =	vsub.f32 $0.0e+00, v5;
	v4 =	vmul.f32 $1.442695020e+00, v1  }
0x10a: {  	v3 =	vsub.f32 $0.0e+00, v3;
	(erf) = vrcp.f32 v0;
	v0 =	vpop (erf);
	v2 =	vadd.f32 $0.0e+00, v2  }
0x10b: {  	v8 =	vmul.f32 $1.442695020e+00, v5;
	v5 =	vmul.f32 $1.442695020e+00, v6;
	v1 =	vpop (erf)  }
0x10c: {  	v3 =	vmul.f32 $1.442695020e+00, v3;
	(erf) = vpow2.f32 v4;
	v6 =	vpop (erf)  }
0x10d: {  	s1 =	simm.s32 $0x60;
	v11 =	vadd.f32 $1.000000000e+00, v0;
	(erf) = vpow2.f32 v5;
	v10 =	vmul.f32 $1.442695020e+00, v2;
	v5 =	vld [tilespmem:s20+$0xB00];
	v4 =	vpop (erf)  }
0x10e: {  	(erf) = vpow2.f32 v3;
	v14 =	vadd.f32 $1.000000000e+00, v6;
	v6 =	vld [tilespmem:s1+$0x500];
	v2 =	vpop (erf);
	v3 =	vadd.f32 $1.000000000e+00, v4  }
0x10f: {  	v13 =	vadd.f32 v13, v9;
	v4 =	vld [tilespmem:s1+$0x900];
	(erf) = vpow2.f32 v10;
	v15 =	vadd.f32 $1.000000000e+00, v2  }
0x110: {  	v10 =	vsub.f32 v7, v12;
	v7 =	vld [tilespmem:s1+$0x700];
	(erf) = vpow2.f32 v8;
	v8 =	vpop (erf);
	v9 =	vmul.f32 v3, v11  }
0x111: {  	s2 =	simm.s32 $0x1C0;
	v12 =	vadd.f32 $1.000000000e+00, v1;
	v8 =	vmul.f32 v8, v13;
	v11 =	vmul.f32 v14, v15  }
.LBB2_4:
0x112: {  	p0 =	sne.s32 s2, $0x3C0;
	v13 =	vmul.f32 $-5.446400070e+01, v10;
	(erf) = vrcp.f32 v9;
	v9 =	vmov v3  }
0x113: {  	v5 =	vsub.f32 $0.0e+00, v5;
	v3 =	vmul.f32 v12, v11;
	v11 =	vpop (erf);
	[tilespmem:s30+$0xD00] =	vst v8;
	s30 =	smov.u32 s22;
	s22 =	smov.u32 s23;
	s23 =	smov.u32 s20  }
0x114: {  	v4 =	vsub.f32 $0.0e+00, v4;
	s20 =	smov.u32 s24;
	s24 =	smov.u32 s17;
	s17 =	smov.u32 s1;
	v6 =	vsub.f32 $0.0e+00, v6;
	v12 =	vmul.f32 v11, v13  }
0x115: {  	v15 =	vmul.f32 $1.442695020e+00, v5;
	v7 =	vsub.f32 $0.0e+00, v7;
	(erf) = vrcp.f32 v3;
	v10 =	vpop (erf)  }
0x116: {  	v4 =	vmul.f32 $1.442695020e+00, v4;
	v11 =	vmul.f32 $1.442695020e+00, v6;
	v13 =	vpop (erf);
	v6 =	vadd.f32 $0.0e+00, v12  }
0x117: {  	v7 =	vmul.f32 $1.442695020e+00, v7;
	v8 =	vpop (erf);
	(erf) = vpow2.f32 v15  }
.Ltmp1:
0x118: {  	s1 =	sshra.s32 s2, $0x2;
	v14 =	vadd.f32 $1.000000000e+00, v10;
	(erf) = vpow2.f32 v4;
	v5 =	vld [tilespmem:s20+$0xB00];
	v12 =	vmul.f32 $1.442695020e+00, v6;
	v3 =	vpop (erf);
	(pc) =	sbr.rel @p0 .LBB2_4-.Ltmp1, $4  }
0x119: {  	v8 =	vadd.f32 $1.000000000e+00, v8;
	v4 =	vld [tilespmem:s1+$0x900];
	(erf) = vpow2.f32 v7;
	v15 =	vpop (erf);
	v3 =	vadd.f32 $1.000000000e+00, v3  }
0x11a: {  	v17 =	vadd.f32 v9, v0;
	v0 =	vmovc v10;
	v6 =	vld [tilespmem:s1+$0x500];
	v16 =	vadd.f32 $1.000000000e+00, v15;
	(erf) = vpow2.f32 v12  }
0x11b: {  	v10 =	vsub.f32 v1, v2;
	v7 =	vld [tilespmem:s1+$0x700];
	(erf) = vpow2.f32 v11;
	v9 =	vmul.f32 v3, v14;
	v1 =	vpop (erf)  }
0x11c: {  	s2 =	sadd.s32 $0x40, s2;
	v12 =	vadd.f32 $1.000000000e+00, v13;
	v2 =	vmovc v15;
	v11 =	vmul.f32 v8, v16;
	v8 =	vmul.f32 v1, v17;
	v1 =	vmovc v13  }
0x11d: {  	v10 =	vmul.f32 $-5.446400070e+01, v10  }
0x11e: {  	v5 =	vsub.f32 $0.0e+00, v5;
	v13 =	vpop (erf)  }
0x11f: {  	v11 =	vmul.f32 v12, v11;
	v4 =	vsub.f32 $0.0e+00, v4;
	v10 =	vmul.f32 v13, v10  }
0x120: {  	(erf) = vrcp.f32 v9;
	v5 =	vmul.f32 $1.442695020e+00, v5;
	v7 =	vsub.f32 $0.0e+00, v7  }
0x121: {  	(erf) = vrcp.f32 v11;
	v4 =	vmul.f32 $1.442695020e+00, v4;
	v61 =	vadd.f32 $0.0e+00, v10  }
0x122: {  	v6 =	vsub.f32 $0.0e+00, v6;
	(erf) = vpow2.f32 v5;
	v7 =	vmul.f32 $1.442695020e+00, v7  }
0x123: {  	(erf) = vpow2.f32 v4;
	v62 =	vmul.f32 $1.442695020e+00, v61  }
0x124: {  	v63 =	vpop (erf);
	v6 =	vmul.f32 $1.442695020e+00, v6;
	(erf) = vpow2.f32 v7  }
0x125: {  	v18 =	vpop (erf);
	(erf) = vpow2.f32 v62  }
0x126: {  	v19 =	vpop (erf);
	(erf) = vpow2.f32 v6  }
0x127: {  	[tilespmem:s30+$0xD00] =	vst v8;
	v20 =	vpop (erf)  }
0x128: {  	v8 =	vld [tilespmem:s24+$0xB00];
	v21 =	vpop (erf)  }
0x129: {  	v1 =	vsub.f32 v1, v2;
	v22 =	vpop (erf)  }
0x12a: {  	v11 =	vpop (erf)  }
0x12b: {  	v1 =	vmul.f32 $-5.446400070e+01, v1;
	v24 =	vadd.f32 $1.000000000e+00, v63;
	v6 =	vadd.f32 $1.000000000e+00, v20;
	v25 =	vpop (erf)  }
0x12c: {  	v4 =	vadd.f32 $1.000000000e+00, v19;
	v23 =	vadd.f32 $1.000000000e+00, v21;
	v14 =	vpop (erf)  }
0x12d: {  	v8 =	vsub.f32 $0.0e+00, v8;
	v12 =	vmul.f32 v6, v24;
	v1 =	vmul.f32 v11, v1;
	v27 =	vpop (erf)  }
0x12e: {  	v26 =	vadd.f32 $1.000000000e+00, v18;
	v4 =	vmul.f32 v4, v23;
	v28 =	vpop (erf)  }
0x12f: {  	v8 =	vmul.f32 $1.442695020e+00, v8;
	v1 =	vadd.f32 $0.0e+00, v1;
	(erf) = vrcp.f32 v12;
	v29 =	vpop (erf)  }
0x130: {  	v4 =	vmul.f32 v26, v4;
	v30 =	vadd.f32 $1.000000000e+00, v27;
	v31 =	vadd.f32 $1.000000000e+00, v29  }
0x131: {  	v15 =	vadd.f32 $1.000000000e+00, v25;
	v1 =	vmul.f32 $1.442695020e+00, v1;
	v10 =	vadd.f32 $1.000000000e+00, v28  }
0x132: {  	v32 =	vadd.f32 $1.000000000e+00, v14;
	(erf) = vrcp.f32 v4;
	v4 =	vmul.f32 v30, v31  }
0x133: {  	v0 =	vadd.f32 v3, v0;
	(erf) = vpow2.f32 v8;
	v33 =	vmul.f32 v10, v15  }
0x134: {  	(erf) = vpow2.f32 v1;
	v34 =	vmul.f32 v32, v4  }
0x135: {  	v0 =	vmul.f32 v22, v0;
	(erf) = vrcp.f32 v33  }
0x136: {  	(erf) = vrcp.f32 v34  }
0x137: {  	v35 =	vadd.f32 v6, v63;
	[tilespmem:s22+$0xD00] =	vst v0  }
0x138: {  	v36 =	vld [tilespmem:s17+$0xB00];
	v37 =	vpop (erf)  }
0x139: {  	v38 =	vsub.f32 v18, v21;
	v0 =	vmul.f32 v37, v35;
	_ =	sdelay $0x1  }
0x13a: {  	v39 =	vmul.f32 $-5.446400070e+01, v38;
	v40 =	vpop (erf);
	[tilespmem:s23+$0xD00] =	vst v0  }
0x13b: {  	v43 =	vsub.f32 v14, v29;
	v41 =	vpop (erf);
	v42 =	vld [tilespmem:s1+$0xB00]  }
0x13c: {  	v1 =	vsub.f32 $0.0e+00, v36;
	v2 =	vmul.f32 v40, v39;
	v44 =	vpop (erf)  }
0x13d: {  	v5 =	vmul.f32 $-5.446400070e+01, v43;
	v45 =	vpop (erf)  }
0x13e: {  	v1 =	vmul.f32 $1.442695020e+00, v1;
	v2 =	vadd.f32 $0.0e+00, v2;
	v46 =	vpop (erf)  }
0x13f: {  	v47 =	vadd.f32 $1.000000000e+00, v41;
	v3 =	vadd.f32 $1.000000000e+00, v44;
	v5 =	vmul.f32 v46, v5  }
0x140: {  	v2 =	vmul.f32 $1.442695020e+00, v2;
	v4 =	vsub.f32 $0.0e+00, v42  }
0x141: {  	(erf) = vpow2.f32 v1;
	v48 =	vmul.f32 v3, v47;
	v5 =	vadd.f32 $0.0e+00, v5  }
0x142: {  	(erf) = vpow2.f32 v2;
	v49 =	vmul.f32 $1.442695020e+00, v4  }
0x143: {  	(erf) = vrcp.f32 v48;
	v50 =	vmul.f32 $1.442695020e+00, v5  }
0x144: {  	(erf) = vpow2.f32 v49  }
0x145: {  	(erf) = vpow2.f32 v50;
	_ =	sdelay $0x4  }
0x146: {  	v51 =	vpop (erf)  }
0x147: {  	v52 =	vpop (erf)  }
0x148: {  	v53 =	vpop (erf)  }
0x149: {  	v54 =	vpop (erf)  }
0x14a: {  	v55 =	vadd.f32 $1.000000000e+00, v51;
	v2 =	vadd.f32 $1.000000000e+00, v52;
	v56 =	vpop (erf)  }
0x14b: {  	v57 =	vadd.f32 $1.000000000e+00, v54;
	v8 =	vadd.f32 $1.000000000e+00, v56  }
0x14c: {  	v7 =	vmul.f32 v2, v55  }
0x14d: {  	v9 =	vmul.f32 v8, v57  }
0x14e: {  	(erf) = vrcp.f32 v7  }
0x14f: {  	(erf) = vrcp.f32 v9;
	_ =	sdelay $0x4  }
0x150: {  	v58 =	vadd.f32 v10, v25  }
0x151: {  	v0 =	vadd.f32 v3, v41  }
0x152: {  	v59 =	vmul.f32 v45, v58;
	v1 =	vadd.f32 v2, v51  }
0x153: {  	v0 =	vmul.f32 v53, v0;
	v61 =	vadd.f32 v8, v54;
	v60 =	vpop (erf)  }
0x154: {  	[tilespmem:s20+$0xD00] =	vst v59;
	v1 =	vmul.f32 v60, v1;
	v62 =	vpop (erf)  }
0x155: {  	[tilespmem:s24+$0xD00] =	vst v0;
	v63 =	vmul.f32 v62, v61  }
0x156: {  	[tilespmem:s17+$0xD00] =	vst v1  }
0x157: {  	s19 =	sadd.s32 $0x1, s19;
	s30 =	simm.s32 $0xD00;
	[tilespmem:s1+$0xD00] =	vst v63  }
0x158: {  	[hbm4b:s10+s6] =	stream.linear.scatter [tilespmem:s30], [sflag:$0x3], $0x100, $0x38;
	[tilespmem:$0xE00] =	vst v63  }
0x159: {  	p0 =	sne.s32 s19, s11;
	_ =	swait.ge [sflag:s18], $0x100  }
.Ltmp2:
0x15a: {  	[sflag:s18] =	ssyncset.done $0x0;
	(pc) =	sbr.rel @p0 .LBB2_1-.Ltmp2, $4  }
0x15b: {  	[sflag:s18] =	ssyncadd.s32 $0xFFFFFF00  }
0x15c: {  	_ =	swait.ge [sflag:s18], $0x100  }
0x15d: {  	[sflag:s18] =	ssyncset.done $0x0  }
0x15e: {  	[sflag:s18] =	ssyncadd.s32 $0xFFFFFF00  }
0x15f: {  	_ =	sfence.sel $0x180000  }
0x160: {  	[bflag:$0x0] =	sbarrier.arrive $0xFFFF  }
0x161: {  	_ =	strace $0x90000047  }
0x162: {  	s0 =	stileid.u32;
	[bflag:$0x2] =	sbarrier.arrive $0xFFFF  }
0x163: {  	p0 =	sne.s32 s0, $0x0;
	s0 =	rddreg [dreg:$0x7]  }
0x164: {  	s0 =	sadd.s32 @!p0 $0x100000, s0  }
0x165: {  	[sflag:s0] =	ssyncadd.tile.s32 @!p0 $0x1;
	_ =	shalt  }
.Lfunc_end2:
_tile_overlayer_lowered:
.L_overlay_start_2:
0x166: {  	(tag) =	ssettag $0x2  }
0x167: {  	s0 =	rddreg [dreg:$0x0];
	s2 =	stileid.u32  }
0x168: {  	s1 =	rddreg [dreg:$0x1];
	p0 =	sne.s32 s2, $0x0  }
0x169: {  	s3 =	rddreg [dreg:$0x2];
	[bflag:$0x3] =	sbarrier.arrive $0xFFFF;
	s2 =	simm.s32 @!p0 $0x1C0C  }
0x16a: {  	[timem:s3], [sflag:s2] =	dma.local @!p0 [hbm:s0], s1  }
0x16b: {  	s0 =	simm.s32 @!p0 $0xC  }
0x16c: {  	_ =	swait.ge @!p0 [sflag:s0], s1  }
0x16d: {  	s1 =	ssub.s32 @!p0 $0x0, s1;
	[sflag:s0] =	ssyncset.done @!p0 $0x0  }
0x16e: {  	[sflag:s0] =	ssyncadd.s32 @!p0 s1  }
0x16f: {  	[bflag:$0x3] =	sbarrier.arrive $0xFFFF  }
0x170: {  	_ =	shalt  }

</sc_bundles>
